<compile_context>
chip_gen: v7x
topology: tpu7x:2x2x1
jax: 0.10.2.dev20260603
libtpu: 0.0.44.dev20260713+nightly
codegen_flags: <defaults>
</compile_context>

<pallas_src>
import functools

import jax
import jax.numpy as jnp
from jax import lax
from jax.experimental import pallas as pl
from jax.experimental.pallas import tpu as pltpu
from jax.experimental.pallas import tpu_sc as plsc

B, H, D = 4096, 26, 64
N_PER_HEAD = 100000
NC, NS, L = 2, 16, 16
NW = NC * NS
TOTAL = B * H
DP = 128
IDX_W = 128
ROWS_PER_W = TOTAL // NW
J_PER_W = ROWS_PER_W // IDX_W
NBUF = 2
SKEW = 1


def _sc_body(ids_hbm, table_hbm, out_hbm, idx_v, rows_v, *sems):
    semg, semw = sems[:NBUF], sems[NBUF:]
    wid = lax.axis_index("c") * NS + lax.axis_index("s")
    base = wid * ROWS_PER_W

    pltpu.sync_copy(ids_hbm.at[pl.ds(base, ROWS_PER_W)], idx_v)

    lanes = lax.iota(jnp.int32, L)

    def shift_vec(t, _):
        pos = base + t * L + lanes
        head = lax.rem(pos, H)
        sl = pl.ds(t * L, L)
        idx_v[sl] = idx_v[sl] + head * N_PER_HEAD
        return 0

    lax.fori_loop(0, ROWS_PER_W // L, shift_vec, 0)

    def gather(t):
        b = t % NBUF
        return pltpu.make_async_copy(
            table_hbm.at[idx_v.at[pl.ds(t * IDX_W, IDX_W)]],
            rows_v.at[b], semg[b])

    def scatter(t):
        b = t % NBUF
        return pltpu.make_async_copy(
            rows_v.at[b], out_hbm.at[pl.ds(base + t * IDX_W, IDX_W)], semw[b])

    for t in range(J_PER_W):
        if t >= NBUF:
            scatter(t - NBUF).wait()
        gather(t).start()
        if t >= SKEW:
            gather(t - SKEW).wait()
            scatter(t - SKEW).start()
    for t in range(J_PER_W - SKEW, J_PER_W):
        gather(t).wait()
        scatter(t).start()
    for t in range(J_PER_W - NBUF, J_PER_W):
        scatter(t).wait()


@functools.partial(
    pl.kernel,
    out_type=jax.ShapeDtypeStruct((TOTAL, DP), jnp.float32),
    mesh=plsc.VectorSubcoreMesh(core_axis_name="c", subcore_axis_name="s"),
    compiler_params=pltpu.CompilerParams(use_tc_tiling_on_sc=True),
    scratch_types=[
        pltpu.VMEM((ROWS_PER_W,), jnp.int32),
        pltpu.VMEM((NBUF, IDX_W, DP), jnp.float32),
    ] + [pltpu.SemaphoreType.DMA] * (2 * NBUF),
)
def _mhe_gather(ids_hbm, table_hbm, out_hbm, idx_v, rows_v, *sems):
    _sc_body(ids_hbm, table_hbm, out_hbm, idx_v, rows_v, *sems)


def kernel(input_ids, table):
    ids_flat = input_ids.reshape(TOTAL).astype(jnp.int32)
    table_p = jnp.pad(table, ((0, 0), (0, DP - D)))
    out = _mhe_gather(ids_flat, table_p)
    return out[:, :D].reshape(B, H, D)

# --- scband reference (transcript-rebuilt; emitter-appended) ---
"""Pipeline reference for scband-multi-head-embedding-84335977824560 (READ-ONLY COPY).

The authoritative reference and input builder live on the scoring server;
editing this copy changes nothing except your own understanding.
"""

import jax, jax.numpy as jnp
import numpy as np

LIST_OF_N = [100000] * 26
D = 64
TOTAL_N = sum(LIST_OF_N)


def _offsets():
    off = np.concatenate([[0], np.cumsum(np.asarray(LIST_OF_N[:-1], dtype=np.int64))])
    return jnp.asarray(off.astype(np.int32))


def setup_inputs(seed: int = 0) -> dict:
    key = jax.random.key(seed)
    k1, k2 = jax.random.split(key)
    input_ids = jax.random.randint(k1, (4096, 26), 0, 100000)
    table = jax.random.normal(k2, (TOTAL_N, D), dtype=jnp.float32) * 0.02
    return {"input_ids": input_ids, "table": table}


def reference(input_ids, table):
    offsets = _offsets()
    shifted = input_ids + offsets[None, :]
    out = jnp.take(table, shifted, axis=0)
    return out

if __name__ == "__main__":
    import jax
    _d = setup_inputs()
    print(jax.jit(kernel)(*tuple(_d.values())))

</pallas_src>

<mosaic_0001>
#map = affine_map<(d0, d1) -> (0)>
#map1 = affine_map<(d0, d1) -> (0, 0)>
module attributes {stable_mosaic.version = 14 : i64} {
  func.func @_mhe_gather(%arg0: i32, %arg1: i32, %arg2: memref<106496xi32, #tpu.memory_space<hbm>>, %arg3: memref<2600000x128xf32, #tpu.memory_space<hbm>>, %arg4: memref<106496x128xf32, #tpu.memory_space<hbm>>, %arg5: memref<3328xi32, #tpu.memory_space<vmem>>, %arg6: memref<2x128x128xf32, #tpu.memory_space<vmem>>, %arg7: memref<!tpu.dma_semaphore, #tpu.memory_space<semaphore_mem>>, %arg8: memref<!tpu.dma_semaphore, #tpu.memory_space<semaphore_mem>>, %arg9: memref<!tpu.dma_semaphore, #tpu.memory_space<semaphore_mem>>, %arg10: memref<!tpu.dma_semaphore, #tpu.memory_space<semaphore_mem>>) attributes {dimension_semantics = [#tpu.dimension_semantics<core_parallel>, #tpu.dimension_semantics<subcore_parallel>], iteration_bounds = array<i64: 2, 16>, scalar_prefetch = 0 : i64, scratch_operands = 6 : i64, tpu.core_type = #tpu.core_type<sc_vector_subcore>, window_params = [{transform_indices = #map}, {transform_indices = #map1}, {transform_indices = #map1}]} {
    %mul3A = arith.constant 16 : i32
    %mul3A_0 = arith.muli %arg0, %mul3A : i32
    %add3A = arith.addi %mul3A_0, %arg1 : i32
    %mul3A_1 = arith.constant 3328 : i32
    %mul3A_2 = arith.muli %add3A, %mul3A_1 : i32
    "tpu.region"() ({
      %run_scoped3A = tpu.sem_alloc : memref<!tpu.dma_semaphore, #tpu.memory_space<semaphore_mem>>
      %dma_start3A_1307 = tpu.memref_slice %arg2[%mul3A_2] : memref<106496xi32, #tpu.memory_space<hbm>> -> memref<3328xi32, #tpu.memory_space<hbm>>
      %dma_start3A_1308 = tpu.memref_slice %arg2[%mul3A_2] : memref<106496xi32, #tpu.memory_space<hbm>> -> memref<3328xi32, #tpu.memory_space<hbm>>
      tpu.enqueue_dma source(%dma_start3A_1308 : memref<3328xi32, #tpu.memory_space<hbm>>) target(%arg5 : memref<3328xi32, #tpu.memory_space<vmem>>) target_semaphore(%run_scoped3A : memref<!tpu.dma_semaphore, #tpu.memory_space<semaphore_mem>>)
      %dma_wait3A_1309 = tpu.memref_slice %arg2[%mul3A_2] : memref<106496xi32, #tpu.memory_space<hbm>> -> memref<3328xi32, #tpu.memory_space<hbm>>
      %dma_wait3A_1310 = tpu.memref_slice %arg2[%mul3A_2] : memref<106496xi32, #tpu.memory_space<hbm>> -> memref<3328xi32, #tpu.memory_space<hbm>>
      tpu.wait_dma2 semaphore(%run_scoped3A : memref<!tpu.dma_semaphore, #tpu.memory_space<semaphore_mem>>) src(%dma_wait3A_1310 : memref<3328xi32, #tpu.memory_space<hbm>>) dst(%arg5 : memref<3328xi32, #tpu.memory_space<vmem>>)
      tpu.yield
    }) : () -> ()
    %iota3A = tpu.iota {dimensions = array<i32: 0>} : vector<16xi32>
    %scan3A = arith.constant 0 : i32
    %scan3A_3 = arith.constant 0 : i32
    %scan3A_4 = arith.constant 208 : i32
    %scan3A_5 = arith.addi %scan3A_3, %scan3A_4 : i32
    %scan3A_6 = arith.constant 1 : i32
    %scan3A_7 = scf.for %scan3A_1307 = %scan3A_3 to %scan3A_5 step %scan3A_6 iter_args(%scan3A_1308 = %scan3A) -> (i32)  : i32 {
      %mul3A_1309 = arith.constant 16 : i32
      %mul3A_1310 = arith.muli %scan3A_1307, %mul3A_1309 : i32
      %add3A_1311 = arith.addi %mul3A_2, %mul3A_1310 : i32
      %add3A_1312 = vector.broadcast %add3A_1311 : i32 to vector<16xi32>
      %add3A_1313 = arith.addi %add3A_1312, %iota3A : vector<16xi32>
      %rem3A = arith.constant 26 : i32
      %rem3A_1314 = vector.broadcast %rem3A : i32 to vector<16xi32>
      %rem3A_1315 = arith.remsi %add3A_1313, %rem3A_1314 : vector<16xi32>
      %mul3A_1316 = arith.constant 16 : i32
      %mul3A_1317 = arith.muli %scan3A_1307, %mul3A_1316 : i32
      %get3A = arith.index_cast %mul3A_1317 : i32 to index
      %get3A_1318 = tpu.vector_load %arg5[%get3A] {strides = array<i32>} : memref<3328xi32, #tpu.memory_space<vmem>>, vector<16xi32>,
      %get3A_1319 = vector.shape_cast %get3A_1318 : vector<16xi32> to vector<16xi32>
      %mul3A_1320 = arith.constant 100000 : i32
      %mul3A_1321 = vector.broadcast %mul3A_1320 : i32 to vector<16xi32>
      %mul3A_1322 = arith.muli %rem3A_1315, %mul3A_1321 : vector<16xi32>
      %add3A_1323 = arith.addi %get3A_1319, %mul3A_1322 : vector<16xi32>
      %swap3A = arith.index_cast %mul3A_1317 : i32 to index
      %swap3A_1324 = tpu.vector_load %arg5[%swap3A] {strides = array<i32>} : memref<3328xi32, #tpu.memory_space<vmem>>, vector<16xi32>,
      %swap3A_1325 = vector.shape_cast %swap3A_1324 : vector<16xi32> to vector<16xi32>
      %swap3A_1326 = vector.shape_cast %add3A_1323 : vector<16xi32> to vector<16xi32>
      tpu.vector_store %arg5[%swap3A], %swap3A_1326 {strides = array<i32>} : memref<3328xi32, #tpu.memory_space<vmem>>, vector<16xi32>,
      %scan3A_1327 = arith.constant 0 : i32
      scf.yield %scan3A_1327 : i32
    }
    %scan3A_8 = arith.constant 208 : i32
    %dma_start3A = arith.constant 0 : i32
    %dma_start3A_9 = arith.constant 0 : i32
    %dma_start3A_10 = arith.constant 0 : i32
    %dma_start3A_11 = tpu.memref_slice %arg6[%dma_start3A, %dma_start3A_9, %dma_start3A_10] : memref<2x128x128xf32, #tpu.memory_space<vmem>> -> memref<1x128x128xf32, #tpu.memory_space<vmem>>
    %dma_start3A_12 = tpu.memref_squeeze %dma_start3A_11 : memref<1x128x128xf32, #tpu.memory_space<vmem>> -> memref<128x128xf32, #tpu.memory_space<vmem>>
    %dma_start3A_13 = arith.constant 0 : i32
    %dma_start3A_14 = tpu.memref_slice %arg5[%dma_start3A_13] : memref<3328xi32, #tpu.memory_space<vmem>> -> memref<128xi32, #tpu.memory_space<vmem>>
    %dma_start3A_15 = arith.constant 0 : i32
    %dma_start3A_16 = arith.constant 0 : i32
    %dma_start3A_17 = tpu.memref_slice %arg3[%dma_start3A_15, %dma_start3A_16] : memref<2600000x128xf32, #tpu.memory_space<hbm>> -> memref<2600000x128xf32, #tpu.memory_space<hbm>>
    tpu.enqueue_indirect_dma source(%dma_start3A_17 : memref<2600000x128xf32, #tpu.memory_space<hbm>>) target(%dma_start3A_12 : memref<128x128xf32, #tpu.memory_space<vmem>>) offsets(%dma_start3A_14 : memref<128xi32, #tpu.memory_space<vmem>>) semaphore(%arg7 : memref<!tpu.dma_semaphore, #tpu.memory_space<semaphore_mem>>)
    %dma_start3A_18 = arith.constant 1 : i32
    %dma_start3A_19 = arith.constant 0 : i32
    %dma_start3A_20 = arith.constant 0 : i32
    %dma_start3A_21 = tpu.memref_slice %arg6[%dma_start3A_18, %dma_start3A_19, %dma_start3A_20] : memref<2x128x128xf32, #tpu.memory_space<vmem>> -> memref<1x128x128xf32, #tpu.memory_space<vmem>>
    %dma_start3A_22 = tpu.memref_squeeze %dma_start3A_21 : memref<1x128x128xf32, #tpu.memory_space<vmem>> -> memref<128x128xf32, #tpu.memory_space<vmem>>
    %dma_start3A_23 = arith.constant 128 : i32
    %dma_start3A_24 = tpu.memref_slice %arg5[%dma_start3A_23] : memref<3328xi32, #tpu.memory_space<vmem>> -> memref<128xi32, #tpu.memory_space<vmem>>
    %dma_start3A_25 = arith.constant 0 : i32
    %dma_start3A_26 = arith.constant 0 : i32
    %dma_start3A_27 = tpu.memref_slice %arg3[%dma_start3A_25, %dma_start3A_26] : memref<2600000x128xf32, #tpu.memory_space<hbm>> -> memref<2600000x128xf32, #tpu.memory_space<hbm>>
    tpu.enqueue_indirect_dma source(%dma_start3A_27 : memref<2600000x128xf32, #tpu.memory_space<hbm>>) target(%dma_start3A_22 : memref<128x128xf32, #tpu.memory_space<vmem>>) offsets(%dma_start3A_24 : memref<128xi32, #tpu.memory_space<vmem>>) semaphore(%arg8 : memref<!tpu.dma_semaphore, #tpu.memory_space<semaphore_mem>>)
    %dma_wait3A = arith.constant 0 : i32
    %dma_wait3A_28 = arith.constant 0 : i32
    %dma_wait3A_29 = arith.constant 0 : i32
    %dma_wait3A_30 = tpu.memref_slice %arg6[%dma_wait3A, %dma_wait3A_28, %dma_wait3A_29] : memref<2x128x128xf32, #tpu.memory_space<vmem>> -> memref<1x128x128xf32, #tpu.memory_space<vmem>>
    %dma_wait3A_31 = tpu.memref_squeeze %dma_wait3A_30 : memref<1x128x128xf32, #tpu.memory_space<vmem>> -> memref<128x128xf32, #tpu.memory_space<vmem>>
    %dma_wait3A_32 = arith.constant 0 : i32
    %dma_wait3A_33 = tpu.memref_slice %arg5[%dma_wait3A_32] : memref<3328xi32, #tpu.memory_space<vmem>> -> memref<128xi32, #tpu.memory_space<vmem>>
    %dma_wait3A_34 = arith.constant 0 : i32
    %dma_wait3A_35 = arith.constant 0 : i32
    %dma_wait3A_36 = tpu.memref_slice %arg3[%dma_wait3A_34, %dma_wait3A_35] : memref<2600000x128xf32, #tpu.memory_space<hbm>> -> memref<2600000x128xf32, #tpu.memory_space<hbm>>
    tpu.wait_indirect_dma semaphore(%arg7 : memref<!tpu.dma_semaphore, #tpu.memory_space<semaphore_mem>>) src(%dma_wait3A_36 : memref<2600000x128xf32, #tpu.memory_space<hbm>>) dst(%dma_wait3A_31 : memref<128x128xf32, #tpu.memory_space<vmem>>)
    %add3A_37 = arith.constant 0 : i32
    %add3A_38 = arith.addi %mul3A_2, %add3A_37 : i32
    %dma_start3A_39 = arith.constant 0 : i32
    %dma_start3A_40 = arith.constant 0 : i32
    %dma_start3A_41 = arith.constant 0 : i32
    %dma_start3A_42 = tpu.memref_slice %arg6[%dma_start3A_39, %dma_start3A_40, %dma_start3A_41] : memref<2x128x128xf32, #tpu.memory_space<vmem>> -> memref<1x128x128xf32, #tpu.memory_space<vmem>>
    %dma_start3A_43 = tpu.memref_squeeze %dma_start3A_42 : memref<1x128x128xf32, #tpu.memory_space<vmem>> -> memref<128x128xf32, #tpu.memory_space<vmem>>
    %dma_start3A_44 = arith.constant 0 : i32
    %dma_start3A_45 = tpu.memref_slice %arg4[%add3A_38, %dma_start3A_44] : memref<106496x128xf32, #tpu.memory_space<hbm>> -> memref<128x128xf32, #tpu.memory_space<hbm>>
    %dma_start3A_46 = arith.constant 0 : i32
    %dma_start3A_47 = tpu.memref_slice %arg4[%add3A_38, %dma_start3A_46] : memref<106496x128xf32, #tpu.memory_space<hbm>> -> memref<128x128xf32, #tpu.memory_space<hbm>>
    %dma_start3A_48 = arith.constant 0 : i32
    %dma_start3A_49 = arith.constant 0 : i32
    %dma_start3A_50 = tpu.memref_slice %arg6[%dma_start3A_39, %dma_start3A_48, %dma_start3A_49] : memref<2x128x128xf32, #tpu.memory_space<vmem>> -> memref<1x128x128xf32, #tpu.memory_space<vmem>>
    %dma_start3A_51 = tpu.memref_squeeze %dma_start3A_50 : memref<1x128x128xf32, #tpu.memory_space<vmem>> -> memref<128x128xf32, #tpu.memory_space<vmem>>
    tpu.enqueue_dma source(%dma_start3A_51 : memref<128x128xf32, #tpu.memory_space<vmem>>) target(%dma_start3A_47 : memref<128x128xf32, #tpu.memory_space<hbm>>) target_semaphore(%arg9 : memref<!tpu.dma_semaphore, #tpu.memory_space<semaphore_mem>>)
    %add3A_52 = arith.constant 0 : i32
    %add3A_53 = arith.addi %mul3A_2, %add3A_52 : i32
    %dma_wait3A_54 = arith.constant 0 : i32
    %dma_wait3A_55 = arith.constant 0 : i32
    %dma_wait3A_56 = arith.constant 0 : i32
    %dma_wait3A_57 = tpu.memref_slice %arg6[%dma_wait3A_54, %dma_wait3A_55, %dma_wait3A_56] : memref<2x128x128xf32, #tpu.memory_space<vmem>> -> memref<1x128x128xf32, #tpu.memory_space<vmem>>
    %dma_wait3A_58 = tpu.memref_squeeze %dma_wait3A_57 : memref<1x128x128xf32, #tpu.memory_space<vmem>> -> memref<128x128xf32, #tpu.memory_space<vmem>>
    %dma_wait3A_59 = arith.constant 0 : i32
    %dma_wait3A_60 = tpu.memref_slice %arg4[%add3A_53, %dma_wait3A_59] : memref<106496x128xf32, #tpu.memory_space<hbm>> -> memref<128x128xf32, #tpu.memory_space<hbm>>
    %dma_wait3A_61 = arith.constant 0 : i32
    %dma_wait3A_62 = tpu.memref_slice %arg4[%add3A_53, %dma_wait3A_61] : memref<106496x128xf32, #tpu.memory_space<hbm>> -> memref<128x128xf32, #tpu.memory_space<hbm>>
    %dma_wait3A_63 = arith.constant 0 : i32
    %dma_wait3A_64 = arith.constant 0 : i32
    %dma_wait3A_65 = tpu.memref_slice %arg6[%dma_wait3A_54, %dma_wait3A_63, %dma_wait3A_64] : memref<2x128x128xf32, #tpu.memory_space<vmem>> -> memref<1x128x128xf32, #tpu.memory_space<vmem>>
    %dma_wait3A_66 = tpu.memref_squeeze %dma_wait3A_65 : memref<1x128x128xf32, #tpu.memory_space<vmem>> -> memref<128x128xf32, #tpu.memory_space<vmem>>
    tpu.wait_dma2 semaphore(%arg9 : memref<!tpu.dma_semaphore, #tpu.memory_space<semaphore_mem>>) src(%dma_wait3A_66 : memref<128x128xf32, #tpu.memory_space<vmem>>) dst(%dma_wait3A_62 : memref<128x128xf32, #tpu.memory_space<hbm>>)
    %dma_start3A_67 = arith.constant 0 : i32
    %dma_start3A_68 = arith.constant 0 : i32
    %dma_start3A_69 = arith.constant 0 : i32
    %dma_start3A_70 = tpu.memref_slice %arg6[%dma_start3A_67, %dma_start3A_68, %dma_start3A_69] : memref<2x128x128xf32, #tpu.memory_space<vmem>> -> memref<1x128x128xf32, #tpu.memory_space<vmem>>
    %dma_start3A_71 = tpu.memref_squeeze %dma_start3A_70 : memref<1x128x128xf32, #tpu.memory_space<vmem>> -> memref<128x128xf32, #tpu.memory_space<vmem>>
    %dma_start3A_72 = arith.constant 256 : i32
    %dma_start3A_73 = tpu.memref_slice %arg5[%dma_start3A_72] : memref<3328xi32, #tpu.memory_space<vmem>> -> memref<128xi32, #tpu.memory_space<vmem>>
    %dma_start3A_74 = arith.constant 0 : i32
    %dma_start3A_75 = arith.constant 0 : i32
    %dma_start3A_76 = tpu.memref_slice %arg3[%dma_start3A_74, %dma_start3A_75] : memref<2600000x128xf32, #tpu.memory_space<hbm>> -> memref<2600000x128xf32, #tpu.memory_space<hbm>>
    tpu.enqueue_indirect_dma source(%dma_start3A_76 : memref<2600000x128xf32, #tpu.memory_space<hbm>>) target(%dma_start3A_71 : memref<128x128xf32, #tpu.memory_space<vmem>>) offsets(%dma_start3A_73 : memref<128xi32, #tpu.memory_space<vmem>>) semaphore(%arg7 : memref<!tpu.dma_semaphore, #tpu.memory_space<semaphore_mem>>)
    %dma_wait3A_77 = arith.constant 1 : i32
    %dma_wait3A_78 = arith.constant 0 : i32
    %dma_wait3A_79 = arith.constant 0 : i32
    %dma_wait3A_80 = tpu.memref_slice %arg6[%dma_wait3A_77, %dma_wait3A_78, %dma_wait3A_79] : memref<2x128x128xf32, #tpu.memory_space<vmem>> -> memref<1x128x128xf32, #tpu.memory_space<vmem>>
    %dma_wait3A_81 = tpu.memref_squeeze %dma_wait3A_80 : memref<1x128x128xf32, #tpu.memory_space<vmem>> -> memref<128x128xf32, #tpu.memory_space<vmem>>
    %dma_wait3A_82 = arith.constant 128 : i32
    %dma_wait3A_83 = tpu.memref_slice %arg5[%dma_wait3A_82] : memref<3328xi32, #tpu.memory_space<vmem>> -> memref<128xi32, #tpu.memory_space<vmem>>
    %dma_wait3A_84 = arith.constant 0 : i32
    %dma_wait3A_85 = arith.constant 0 : i32
    %dma_wait3A_86 = tpu.memref_slice %arg3[%dma_wait3A_84, %dma_wait3A_85] : memref<2600000x128xf32, #tpu.memory_space<hbm>> -> memref<2600000x128xf32, #tpu.memory_space<hbm>>
    tpu.wait_indirect_dma semaphore(%arg8 : memref<!tpu.dma_semaphore, #tpu.memory_space<semaphore_mem>>) src(%dma_wait3A_86 : memref<2600000x128xf32, #tpu.memory_space<hbm>>) dst(%dma_wait3A_81 : memref<128x128xf32, #tpu.memory_space<vmem>>)
    %add3A_87 = arith.constant 128 : i32
    %add3A_88 = arith.addi %mul3A_2, %add3A_87 : i32
    %dma_start3A_89 = arith.constant 1 : i32
    %dma_start3A_90 = arith.constant 0 : i32
    %dma_start3A_91 = arith.constant 0 : i32
    %dma_start3A_92 = tpu.memref_slice %arg6[%dma_start3A_89, %dma_start3A_90, %dma_start3A_91] : memref<2x128x128xf32, #tpu.memory_space<vmem>> -> memref<1x128x128xf32, #tpu.memory_space<vmem>>
    %dma_start3A_93 = tpu.memref_squeeze %dma_start3A_92 : memref<1x128x128xf32, #tpu.memory_space<vmem>> -> memref<128x128xf32, #tpu.memory_space<vmem>>
    %dma_start3A_94 = arith.constant 0 : i32
    %dma_start3A_95 = tpu.memref_slice %arg4[%add3A_88, %dma_start3A_94] : memref<106496x128xf32, #tpu.memory_space<hbm>> -> memref<128x128xf32, #tpu.memory_space<hbm>>
    %dma_start3A_96 = arith.constant 0 : i32
    %dma_start3A_97 = tpu.memref_slice %arg4[%add3A_88, %dma_start3A_96] : memref<106496x128xf32, #tpu.memory_space<hbm>> -> memref<128x128xf32, #tpu.memory_space<hbm>>
    %dma_start3A_98 = arith.constant 0 : i32
    %dma_start3A_99 = arith.constant 0 : i32
    %dma_start3A_100 = tpu.memref_slice %arg6[%dma_start3A_89, %dma_start3A_98, %dma_start3A_99] : memref<2x128x128xf32, #tpu.memory_space<vmem>> -> memref<1x128x128xf32, #tpu.memory_space<vmem>>
    %dma_start3A_101 = tpu.memref_squeeze %dma_start3A_100 : memref<1x128x128xf32, #tpu.memory_space<vmem>> -> memref<128x128xf32, #tpu.memory_space<vmem>>
    tpu.enqueue_dma source(%dma_start3A_101 : memref<128x128xf32, #tpu.memory_space<vmem>>) target(%dma_start3A_97 : memref<128x128xf32, #tpu.memory_space<hbm>>) target_semaphore(%arg10 : memref<!tpu.dma_semaphore, #tpu.memory_space<semaphore_mem>>)
    %add3A_102 = arith.constant 128 : i32
    %add3A_103 = arith.addi %mul3A_2, %add3A_102 : i32
    %dma_wait3A_104 = arith.constant 1 : i32
    %dma_wait3A_105 = arith.constant 0 : i32
    %dma_wait3A_106 = arith.constant 0 : i32
    %dma_wait3A_107 = tpu.memref_slice %arg6[%dma_wait3A_104, %dma_wait3A_105, %dma_wait3A_106] : memref<2x128x128xf32, #tpu.memory_space<vmem>> -> memref<1x128x128xf32, #tpu.memory_space<vmem>>
    %dma_wait3A_108 = tpu.memref_squeeze %dma_wait3A_107 : memref<1x128x128xf32, #tpu.memory_space<vmem>> -> memref<128x128xf32, #tpu.memory_space<vmem>>
    %dma_wait3A_109 = arith.constant 0 : i32
    %dma_wait3A_110 = tpu.memref_slice %arg4[%add3A_103, %dma_wait3A_109] : memref<106496x128xf32, #tpu.memory_space<hbm>> -> memref<128x128xf32, #tpu.memory_space<hbm>>
    %dma_wait3A_111 = arith.constant 0 : i32
    %dma_wait3A_112 = tpu.memref_slice %arg4[%add3A_103, %dma_wait3A_111] : memref<106496x128xf32, #tpu.memory_space<hbm>> -> memref<128x128xf32, #tpu.memory_space<hbm>>
    %dma_wait3A_113 = arith.constant 0 : i32
    %dma_wait3A_114 = arith.constant 0 : i32
    %dma_wait3A_115 = tpu.memref_slice %arg6[%dma_wait3A_104, %dma_wait3A_113, %dma_wait3A_114] : memref<2x128x128xf32, #tpu.memory_space<vmem>> -> memref<1x128x128xf32, #tpu.memory_space<vmem>>
    %dma_wait3A_116 = tpu.memref_squeeze %dma_wait3A_115 : memref<1x128x128xf32, #tpu.memory_space<vmem>> -> memref<128x128xf32, #tpu.memory_space<vmem>>
    tpu.wait_dma2 semaphore(%arg10 : memref<!tpu.dma_semaphore, #tpu.memory_space<semaphore_mem>>) src(%dma_wait3A_116 : memref<128x128xf32, #tpu.memory_space<vmem>>) dst(%dma_wait3A_112 : memref<128x128xf32, #tpu.memory_space<hbm>>)
    %dma_start3A_117 = arith.constant 1 : i32
    %dma_start3A_118 = arith.constant 0 : i32
    %dma_start3A_119 = arith.constant 0 : i32
    %dma_start3A_120 = tpu.memref_slice %arg6[%dma_start3A_117, %dma_start3A_118, %dma_start3A_119] : memref<2x128x128xf32, #tpu.memory_space<vmem>> -> memref<1x128x128xf32, #tpu.memory_space<vmem>>
    %dma_start3A_121 = tpu.memref_squeeze %dma_start3A_120 : memref<1x128x128xf32, #tpu.memory_space<vmem>> -> memref<128x128xf32, #tpu.memory_space<vmem>>
    %dma_start3A_122 = arith.constant 384 : i32
    %dma_start3A_123 = tpu.memref_slice %arg5[%dma_start3A_122] : memref<3328xi32, #tpu.memory_space<vmem>> -> memref<128xi32, #tpu.memory_space<vmem>>
    %dma_start3A_124 = arith.constant 0 : i32
    %dma_start3A_125 = arith.constant 0 : i32
    %dma_start3A_126 = tpu.memref_slice %arg3[%dma_start3A_124, %dma_start3A_125] : memref<2600000x128xf32, #tpu.memory_space<hbm>> -> memref<2600000x128xf32, #tpu.memory_space<hbm>>
    tpu.enqueue_indirect_dma source(%dma_start3A_126 : memref<2600000x128xf32, #tpu.memory_space<hbm>>) target(%dma_start3A_121 : memref<128x128xf32, #tpu.memory_space<vmem>>) offsets(%dma_start3A_123 : memref<128xi32, #tpu.memory_space<vmem>>) semaphore(%arg8 : memref<!tpu.dma_semaphore, #tpu.memory_space<semaphore_mem>>)
    %dma_wait3A_127 = arith.constant 0 : i32
    %dma_wait3A_128 = arith.constant 0 : i32
    %dma_wait3A_129 = arith.constant 0 : i32
    %dma_wait3A_130 = tpu.memref_slice %arg6[%dma_wait3A_127, %dma_wait3A_128, %dma_wait3A_129] : memref<2x128x128xf32, #tpu.memory_space<vmem>> -> memref<1x128x128xf32, #tpu.memory_space<vmem>>
    %dma_wait3A_131 = tpu.memref_squeeze %dma_wait3A_130 : memref<1x128x128xf32, #tpu.memory_space<vmem>> -> memref<128x128xf32, #tpu.memory_space<vmem>>
    %dma_wait3A_132 = arith.constant 256 : i32
    %dma_wait3A_133 = tpu.memref_slice %arg5[%dma_wait3A_132] : memref<3328xi32, #tpu.memory_space<vmem>> -> memref<128xi32, #tpu.memory_space<vmem>>
    %dma_wait3A_134 = arith.constant 0 : i32
    %dma_wait3A_135 = arith.constant 0 : i32
    %dma_wait3A_136 = tpu.memref_slice %arg3[%dma_wait3A_134, %dma_wait3A_135] : memref<2600000x128xf32, #tpu.memory_space<hbm>> -> memref<2600000x128xf32, #tpu.memory_space<hbm>>
    tpu.wait_indirect_dma semaphore(%arg7 : memref<!tpu.dma_semaphore, #tpu.memory_space<semaphore_mem>>) src(%dma_wait3A_136 : memref<2600000x128xf32, #tpu.memory_space<hbm>>) dst(%dma_wait3A_131 : memref<128x128xf32, #tpu.memory_space<vmem>>)
    %add3A_137 = arith.constant 256 : i32
    %add3A_138 = arith.addi %mul3A_2, %add3A_137 : i32
    %dma_start3A_139 = arith.constant 0 : i32
    %dma_start3A_140 = arith.constant 0 : i32
    %dma_start3A_141 = arith.constant 0 : i32
    %dma_start3A_142 = tpu.memref_slice %arg6[%dma_start3A_139, %dma_start3A_140, %dma_start3A_141] : memref<2x128x128xf32, #tpu.memory_space<vmem>> -> memref<1x128x128xf32, #tpu.memory_space<vmem>>
    %dma_start3A_143 = tpu.memref_squeeze %dma_start3A_142 : memref<1x128x128xf32, #tpu.memory_space<vmem>> -> memref<128x128xf32, #tpu.memory_space<vmem>>
    %dma_start3A_144 = arith.constant 0 : i32
    %dma_start3A_145 = tpu.memref_slice %arg4[%add3A_138, %dma_start3A_144] : memref<106496x128xf32, #tpu.memory_space<hbm>> -> memref<128x128xf32, #tpu.memory_space<hbm>>
    %dma_start3A_146 = arith.constant 0 : i32
    %dma_start3A_147 = tpu.memref_slice %arg4[%add3A_138, %dma_start3A_146] : memref<106496x128xf32, #tpu.memory_space<hbm>> -> memref<128x128xf32, #tpu.memory_space<hbm>>
    %dma_start3A_148 = arith.constant 0 : i32
    %dma_start3A_149 = arith.constant 0 : i32
    %dma_start3A_150 = tpu.memref_slice %arg6[%dma_start3A_139, %dma_start3A_148, %dma_start3A_149] : memref<2x128x128xf32, #tpu.memory_space<vmem>> -> memref<1x128x128xf32, #tpu.memory_space<vmem>>
    %dma_start3A_151 = tpu.memref_squeeze %dma_start3A_150 : memref<1x128x128xf32, #tpu.memory_space<vmem>> -> memref<128x128xf32, #tpu.memory_space<vmem>>
    tpu.enqueue_dma source(%dma_start3A_151 : memref<128x128xf32, #tpu.memory_space<vmem>>) target(%dma_start3A_147 : memref<128x128xf32, #tpu.memory_space<hbm>>) target_semaphore(%arg9 : memref<!tpu.dma_semaphore, #tpu.memory_space<semaphore_mem>>)
    %add3A_152 = arith.constant 256 : i32
    %add3A_153 = arith.addi %mul3A_2, %add3A_152 : i32
    %dma_wait3A_154 = arith.constant 0 : i32
    %dma_wait3A_155 = arith.constant 0 : i32
    %dma_wait3A_156 = arith.constant 0 : i32
    %dma_wait3A_157 = tpu.memref_slice %arg6[%dma_wait3A_154, %dma_wait3A_155, %dma_wait3A_156] : memref<2x128x128xf32, #tpu.memory_space<vmem>> -> memref<1x128x128xf32, #tpu.memory_space<vmem>>
    %dma_wait3A_158 = tpu.memref_squeeze %dma_wait3A_157 : memref<1x128x128xf32, #tpu.memory_space<vmem>> -> memref<128x128xf32, #tpu.memory_space<vmem>>
    %dma_wait3A_159 = arith.constant 0 : i32
    %dma_wait3A_160 = tpu.memref_slice %arg4[%add3A_153, %dma_wait3A_159] : memref<106496x128xf32, #tpu.memory_space<hbm>> -> memref<128x128xf32, #tpu.memory_space<hbm>>
    %dma_wait3A_161 = arith.constant 0 : i32
    %dma_wait3A_162 = tpu.memref_slice %arg4[%add3A_153, %dma_wait3A_161] : memref<106496x128xf32, #tpu.memory_space<hbm>> -> memref<128x128xf32, #tpu.memory_space<hbm>>
    %dma_wait3A_163 = arith.constant 0 : i32
    %dma_wait3A_164 = arith.constant 0 : i32
    %dma_wait3A_165 = tpu.memref_slice %arg6[%dma_wait3A_154, %dma_wait3A_163, %dma_wait3A_164] : memref<2x128x128xf32, #tpu.memory_space<vmem>> -> memref<1x128x128xf32, #tpu.memory_space<vmem>>
    %dma_wait3A_166 = tpu.memref_squeeze %dma_wait3A_165 : memref<1x128x128xf32, #tpu.memory_space<vmem>> -> memref<128x128xf32, #tpu.memory_space<vmem>>
    tpu.wait_dma2 semaphore(%arg9 : memref<!tpu.dma_semaphore, #tpu.memory_space<semaphore_mem>>) src(%dma_wait3A_166 : memref<128x128xf32, #tpu.memory_space<vmem>>) dst(%dma_wait3A_162 : memref<128x128xf32, #tpu.memory_space<hbm>>)
    %dma_start3A_167 = arith.constant 0 : i32
    %dma_start3A_168 = arith.constant 0 : i32
    %dma_start3A_169 = arith.constant 0 : i32
    %dma_start3A_170 = tpu.memref_slice %arg6[%dma_start3A_167, %dma_start3A_168, %dma_start3A_169] : memref<2x128x128xf32, #tpu.memory_space<vmem>> -> memref<1x128x128xf32, #tpu.memory_space<vmem>>
    %dma_start3A_171 = tpu.memref_squeeze %dma_start3A_170 : memref<1x128x128xf32, #tpu.memory_space<vmem>> -> memref<128x128xf32, #tpu.memory_space<vmem>>
    %dma_start3A_172 = arith.constant 512 : i32
    %dma_start3A_173 = tpu.memref_slice %arg5[%dma_start3A_172] : memref<3328xi32, #tpu.memory_space<vmem>> -> memref<128xi32, #tpu.memory_space<vmem>>
    %dma_start3A_174 = arith.constant 0 : i32
    %dma_start3A_175 = arith.constant 0 : i32
    %dma_start3A_176 = tpu.memref_slice %arg3[%dma_start3A_174, %dma_start3A_175] : memref<2600000x128xf32, #tpu.memory_space<hbm>> -> memref<2600000x128xf32, #tpu.memory_space<hbm>>
    tpu.enqueue_indirect_dma source(%dma_start3A_176 : memref<2600000x128xf32, #tpu.memory_space<hbm>>) target(%dma_start3A_171 : memref<128x128xf32, #tpu.memory_space<vmem>>) offsets(%dma_start3A_173 : memref<128xi32, #tpu.memory_space<vmem>>) semaphore(%arg7 : memref<!tpu.dma_semaphore, #tpu.memory_space<semaphore_mem>>)
    %dma_wait3A_177 = arith.constant 1 : i32
    %dma_wait3A_178 = arith.constant 0 : i32
    %dma_wait3A_179 = arith.constant 0 : i32
    %dma_wait3A_180 = tpu.memref_slice %arg6[%dma_wait3A_177, %dma_wait3A_178, %dma_wait3A_179] : memref<2x128x128xf32, #tpu.memory_space<vmem>> -> memref<1x128x128xf32, #tpu.memory_space<vmem>>
    %dma_wait3A_181 = tpu.memref_squeeze %dma_wait3A_180 : memref<1x128x128xf32, #tpu.memory_space<vmem>> -> memref<128x128xf32, #tpu.memory_space<vmem>>
    %dma_wait3A_182 = arith.constant 384 : i32
    %dma_wait3A_183 = tpu.memref_slice %arg5[%dma_wait3A_182] : memref<3328xi32, #tpu.memory_space<vmem>> -> memref<128xi32, #tpu.memory_space<vmem>>
    %dma_wait3A_184 = arith.constant 0 : i32
    %dma_wait3A_185 = arith.constant 0 : i32
    %dma_wait3A_186 = tpu.memref_slice %arg3[%dma_wait3A_184, %dma_wait3A_185] : memref<2600000x128xf32, #tpu.memory_space<hbm>> -> memref<2600000x128xf32, #tpu.memory_space<hbm>>
    tpu.wait_indirect_dma semaphore(%arg8 : memref<!tpu.dma_semaphore, #tpu.memory_space<semaphore_mem>>) src(%dma_wait3A_186 : memref<2600000x128xf32, #tpu.memory_space<hbm>>) dst(%dma_wait3A_181 : memref<128x128xf32, #tpu.memory_space<vmem>>)
    %add3A_187 = arith.constant 384 : i32
    %add3A_188 = arith.addi %mul3A_2, %add3A_187 : i32
    %dma_start3A_189 = arith.constant 1 : i32
    %dma_start3A_190 = arith.constant 0 : i32
    %dma_start3A_191 = arith.constant 0 : i32
    %dma_start3A_192 = tpu.memref_slice %arg6[%dma_start3A_189, %dma_start3A_190, %dma_start3A_191] : memref<2x128x128xf32, #tpu.memory_space<vmem>> -> memref<1x128x128xf32, #tpu.memory_space<vmem>>
    %dma_start3A_193 = tpu.memref_squeeze %dma_start3A_192 : memref<1x128x128xf32, #tpu.memory_space<vmem>> -> memref<128x128xf32, #tpu.memory_space<vmem>>
    %dma_start3A_194 = arith.constant 0 : i32
    %dma_start3A_195 = tpu.memref_slice %arg4[%add3A_188, %dma_start3A_194] : memref<106496x128xf32, #tpu.memory_space<hbm>> -> memref<128x128xf32, #tpu.memory_space<hbm>>
    %dma_start3A_196 = arith.constant 0 : i32
    %dma_start3A_197 = tpu.memref_slice %arg4[%add3A_188, %dma_start3A_196] : memref<106496x128xf32, #tpu.memory_space<hbm>> -> memref<128x128xf32, #tpu.memory_space<hbm>>
    %dma_start3A_198 = arith.constant 0 : i32
    %dma_start3A_199 = arith.constant 0 : i32
    %dma_start3A_200 = tpu.memref_slice %arg6[%dma_start3A_189, %dma_start3A_198, %dma_start3A_199] : memref<2x128x128xf32, #tpu.memory_space<vmem>> -> memref<1x128x128xf32, #tpu.memory_space<vmem>>
    %dma_start3A_201 = tpu.memref_squeeze %dma_start3A_200 : memref<1x128x128xf32, #tpu.memory_space<vmem>> -> memref<128x128xf32, #tpu.memory_space<vmem>>
    tpu.enqueue_dma source(%dma_start3A_201 : memref<128x128xf32, #tpu.memory_space<vmem>>) target(%dma_start3A_197 : memref<128x128xf32, #tpu.memory_space<hbm>>) target_semaphore(%arg10 : memref<!tpu.dma_semaphore, #tpu.memory_space<semaphore_mem>>)
    %add3A_202 = arith.constant 384 : i32
    %add3A_203 = arith.addi %mul3A_2, %add3A_202 : i32
    %dma_wait3A_204 = arith.constant 1 : i32
    %dma_wait3A_205 = arith.constant 0 : i32
    %dma_wait3A_206 = arith.constant 0 : i32
    %dma_wait3A_207 = tpu.memref_slice %arg6[%dma_wait3A_204, %dma_wait3A_205, %dma_wait3A_206] : memref<2x128x128xf32, #tpu.memory_space<vmem>> -> memref<1x128x128xf32, #tpu.memory_space<vmem>>
    %dma_wait3A_208 = tpu.memref_squeeze %dma_wait3A_207 : memref<1x128x128xf32, #tpu.memory_space<vmem>> -> memref<128x128xf32, #tpu.memory_space<vmem>>
    %dma_wait3A_209 = arith.constant 0 : i32
    %dma_wait3A_210 = tpu.memref_slice %arg4[%add3A_203, %dma_wait3A_209] : memref<106496x128xf32, #tpu.memory_space<hbm>> -> memref<128x128xf32, #tpu.memory_space<hbm>>
    %dma_wait3A_211 = arith.constant 0 : i32
    %dma_wait3A_212 = tpu.memref_slice %arg4[%add3A_203, %dma_wait3A_211] : memref<106496x128xf32, #tpu.memory_space<hbm>> -> memref<128x128xf32, #tpu.memory_space<hbm>>
    %dma_wait3A_213 = arith.constant 0 : i32
    %dma_wait3A_214 = arith.constant 0 : i32
    %dma_wait3A_215 = tpu.memref_slice %arg6[%dma_wait3A_204, %dma_wait3A_213, %dma_wait3A_214] : memref<2x128x128xf32, #tpu.memory_space<vmem>> -> memref<1x128x128xf32, #tpu.memory_space<vmem>>
    %dma_wait3A_216 = tpu.memref_squeeze %dma_wait3A_215 : memref<1x128x128xf32, #tpu.memory_space<vmem>> -> memref<128x128xf32, #tpu.memory_space<vmem>>
    tpu.wait_dma2 semaphore(%arg10 : memref<!tpu.dma_semaphore, #tpu.memory_space<semaphore_mem>>) src(%dma_wait3A_216 : memref<128x128xf32, #tpu.memory_space<vmem>>) dst(%dma_wait3A_212 : memref<128x128xf32, #tpu.memory_space<hbm>>)
    %dma_start3A_217 = arith.constant 1 : i32
    %dma_start3A_218 = arith.constant 0 : i32
    %dma_start3A_219 = arith.constant 0 : i32
    %dma_start3A_220 = tpu.memref_slice %arg6[%dma_start3A_217, %dma_start3A_218, %dma_start3A_219] : memref<2x128x128xf32, #tpu.memory_space<vmem>> -> memref<1x128x128xf32, #tpu.memory_space<vmem>>
    %dma_start3A_221 = tpu.memref_squeeze %dma_start3A_220 : memref<1x128x128xf32, #tpu.memory_space<vmem>> -> memref<128x128xf32, #tpu.memory_space<vmem>>
    %dma_start3A_222 = arith.constant 640 : i32
    %dma_start3A_223 = tpu.memref_slice %arg5[%dma_start3A_222] : memref<3328xi32, #tpu.memory_space<vmem>> -> memref<128xi32, #tpu.memory_space<vmem>>
    %dma_start3A_224 = arith.constant 0 : i32
    %dma_start3A_225 = arith.constant 0 : i32
    %dma_start3A_226 = tpu.memref_slice %arg3[%dma_start3A_224, %dma_start3A_225] : memref<2600000x128xf32, #tpu.memory_space<hbm>> -> memref<2600000x128xf32, #tpu.memory_space<hbm>>
    tpu.enqueue_indirect_dma source(%dma_start3A_226 : memref<2600000x128xf32, #tpu.memory_space<hbm>>) target(%dma_start3A_221 : memref<128x128xf32, #tpu.memory_space<vmem>>) offsets(%dma_start3A_223 : memref<128xi32, #tpu.memory_space<vmem>>) semaphore(%arg8 : memref<!tpu.dma_semaphore, #tpu.memory_space<semaphore_mem>>)
    %dma_wait3A_227 = arith.constant 0 : i32
    %dma_wait3A_228 = arith.constant 0 : i32
    %dma_wait3A_229 = arith.constant 0 : i32
    %dma_wait3A_230 = tpu.memref_slice %arg6[%dma_wait3A_227, %dma_wait3A_228, %dma_wait3A_229] : memref<2x128x128xf32, #tpu.memory_space<vmem>> -> memref<1x128x128xf32, #tpu.memory_space<vmem>>
    %dma_wait3A_231 = tpu.memref_squeeze %dma_wait3A_230 : memref<1x128x128xf32, #tpu.memory_space<vmem>> -> memref<128x128xf32, #tpu.memory_space<vmem>>
    %dma_wait3A_232 = arith.constant 512 : i32
    %dma_wait3A_233 = tpu.memref_slice %arg5[%dma_wait3A_232] : memref<3328xi32, #tpu.memory_space<vmem>> -> memref<128xi32, #tpu.memory_space<vmem>>
    %dma_wait3A_234 = arith.constant 0 : i32
    %dma_wait3A_235 = arith.constant 0 : i32
    %dma_wait3A_236 = tpu.memref_slice %arg3[%dma_wait3A_234, %dma_wait3A_235] : memref<2600000x128xf32, #tpu.memory_space<hbm>> -> memref<2600000x128xf32, #tpu.memory_space<hbm>>
    tpu.wait_indirect_dma semaphore(%arg7 : memref<!tpu.dma_semaphore, #tpu.memory_space<semaphore_mem>>) src(%dma_wait3A_236 : memref<2600000x128xf32, #tpu.memory_space<hbm>>) dst(%dma_wait3A_231 : memref<128x128xf32, #tpu.memory_space<vmem>>)
    %add3A_237 = arith.constant 512 : i32
    %add3A_238 = arith.addi %mul3A_2, %add3A_237 : i32
    %dma_start3A_239 = arith.constant 0 : i32
    %dma_start3A_240 = arith.constant 0 : i32
    %dma_start3A_241 = arith.constant 0 : i32
    %dma_start3A_242 = tpu.memref_slice %arg6[%dma_start3A_239, %dma_start3A_240, %dma_start3A_241] : memref<2x128x128xf32, #tpu.memory_space<vmem>> -> memref<1x128x128xf32, #tpu.memory_space<vmem>>
    %dma_start3A_243 = tpu.memref_squeeze %dma_start3A_242 : memref<1x128x128xf32, #tpu.memory_space<vmem>> -> memref<128x128xf32, #tpu.memory_space<vmem>>
    %dma_start3A_244 = arith.constant 0 : i32
    %dma_start3A_245 = tpu.memref_slice %arg4[%add3A_238, %dma_start3A_244] : memref<106496x128xf32, #tpu.memory_space<hbm>> -> memref<128x128xf32, #tpu.memory_space<hbm>>
    %dma_start3A_246 = arith.constant 0 : i32
    %dma_start3A_247 = tpu.memref_slice %arg4[%add3A_238, %dma_start3A_246] : memref<106496x128xf32, #tpu.memory_space<hbm>> -> memref<128x128xf32, #tpu.memory_space<hbm>>
    %dma_start3A_248 = arith.constant 0 : i32
    %dma_start3A_249 = arith.constant 0 : i32
    %dma_start3A_250 = tpu.memref_slice %arg6[%dma_start3A_239, %dma_start3A_248, %dma_start3A_249] : memref<2x128x128xf32, #tpu.memory_space<vmem>> -> memref<1x128x128xf32, #tpu.memory_space<vmem>>
    %dma_start3A_251 = tpu.memref_squeeze %dma_start3A_250 : memref<1x128x128xf32, #tpu.memory_space<vmem>> -> memref<128x128xf32, #tpu.memory_space<vmem>>
    tpu.enqueue_dma source(%dma_start3A_251 : memref<128x128xf32, #tpu.memory_space<vmem>>) target(%dma_start3A_247 : memref<128x128xf32, #tpu.memory_space<hbm>>) target_semaphore(%arg9 : memref<!tpu.dma_semaphore, #tpu.memory_space<semaphore_mem>>)
    %add3A_252 = arith.constant 512 : i32
    %add3A_253 = arith.addi %mul3A_2, %add3A_252 : i32
    %dma_wait3A_254 = arith.constant 0 : i32
    %dma_wait3A_255 = arith.constant 0 : i32
    %dma_wait3A_256 = arith.constant 0 : i32
    %dma_wait3A_257 = tpu.memref_slice %arg6[%dma_wait3A_254, %dma_wait3A_255, %dma_wait3A_256] : memref<2x128x128xf32, #tpu.memory_space<vmem>> -> memref<1x128x128xf32, #tpu.memory_space<vmem>>
    %dma_wait3A_258 = tpu.memref_squeeze %dma_wait3A_257 : memref<1x128x128xf32, #tpu.memory_space<vmem>> -> memref<128x128xf32, #tpu.memory_space<vmem>>
    %dma_wait3A_259 = arith.constant 0 : i32
    %dma_wait3A_260 = tpu.memref_slice %arg4[%add3A_253, %dma_wait3A_259] : memref<106496x128xf32, #tpu.memory_space<hbm>> -> memref<128x128xf32, #tpu.memory_space<hbm>>
    %dma_wait3A_261 = arith.constant 0 : i32
    %dma_wait3A_262 = tpu.memref_slice %arg4[%add3A_253, %dma_wait3A_261] : memref<106496x128xf32, #tpu.memory_space<hbm>> -> memref<128x128xf32, #tpu.memory_space<hbm>>
    %dma_wait3A_263 = arith.constant 0 : i32
    %dma_wait3A_264 = arith.constant 0 : i32
    %dma_wait3A_265 = tpu.memref_slice %arg6[%dma_wait3A_254, %dma_wait3A_263, %dma_wait3A_264] : memref<2x128x128xf32, #tpu.memory_space<vmem>> -> memref<1x128x128xf32, #tpu.memory_space<vmem>>
    %dma_wait3A_266 = tpu.memref_squeeze %dma_wait3A_265 : memref<1x128x128xf32, #tpu.memory_space<vmem>> -> memref<128x128xf32, #tpu.memory_space<vmem>>
    tpu.wait_dma2 semaphore(%arg9 : memref<!tpu.dma_semaphore, #tpu.memory_space<semaphore_mem>>) src(%dma_wait3A_266 : memref<128x128xf32, #tpu.memory_space<vmem>>) dst(%dma_wait3A_262 : memref<128x128xf32, #tpu.memory_space<hbm>>)
    %dma_start3A_267 = arith.constant 0 : i32
    %dma_start3A_268 = arith.constant 0 : i32
    %dma_start3A_269 = arith.constant 0 : i32
    %dma_start3A_270 = tpu.memref_slice %arg6[%dma_start3A_267, %dma_start3A_268, %dma_start3A_269] : memref<2x128x128xf32, #tpu.memory_space<vmem>> -> memref<1x128x128xf32, #tpu.memory_space<vmem>>
    %dma_start3A_271 = tpu.memref_squeeze %dma_start3A_270 : memref<1x128x128xf32, #tpu.memory_space<vmem>> -> memref<128x128xf32, #tpu.memory_space<vmem>>
    %dma_start3A_272 = arith.constant 768 : i32
    %dma_start3A_273 = tpu.memref_slice %arg5[%dma_start3A_272] : memref<3328xi32, #tpu.memory_space<vmem>> -> memref<128xi32, #tpu.memory_space<vmem>>
    %dma_start3A_274 = arith.constant 0 : i32
    %dma_start3A_275 = arith.constant 0 : i32
    %dma_start3A_276 = tpu.memref_slice %arg3[%dma_start3A_274, %dma_start3A_275] : memref<2600000x128xf32, #tpu.memory_space<hbm>> -> memref<2600000x128xf32, #tpu.memory_space<hbm>>
    tpu.enqueue_indirect_dma source(%dma_start3A_276 : memref<2600000x128xf32, #tpu.memory_space<hbm>>) target(%dma_start3A_271 : memref<128x128xf32, #tpu.memory_space<vmem>>) offsets(%dma_start3A_273 : memref<128xi32, #tpu.memory_space<vmem>>) semaphore(%arg7 : memref<!tpu.dma_semaphore, #tpu.memory_space<semaphore_mem>>)
    %dma_wait3A_277 = arith.constant 1 : i32
    %dma_wait3A_278 = arith.constant 0 : i32
    %dma_wait3A_279 = arith.constant 0 : i32
    %dma_wait3A_280 = tpu.memref_slice %arg6[%dma_wait3A_277, %dma_wait3A_278, %dma_wait3A_279] : memref<2x128x128xf32, #tpu.memory_space<vmem>> -> memref<1x128x128xf32, #tpu.memory_space<vmem>>
    %dma_wait3A_281 = tpu.memref_squeeze %dma_wait3A_280 : memref<1x128x128xf32, #tpu.memory_space<vmem>> -> memref<128x128xf32, #tpu.memory_space<vmem>>
    %dma_wait3A_282 = arith.constant 640 : i32
    %dma_wait3A_283 = tpu.memref_slice %arg5[%dma_wait3A_282] : memref<3328xi32, #tpu.memory_space<vmem>> -> memref<128xi32, #tpu.memory_space<vmem>>
    %dma_wait3A_284 = arith.constant 0 : i32
    %dma_wait3A_285 = arith.constant 0 : i32
    %dma_wait3A_286 = tpu.memref_slice %arg3[%dma_wait3A_284, %dma_wait3A_285] : memref<2600000x128xf32, #tpu.memory_space<hbm>> -> memref<2600000x128xf32, #tpu.memory_space<hbm>>
    tpu.wait_indirect_dma semaphore(%arg8 : memref<!tpu.dma_semaphore, #tpu.memory_space<semaphore_mem>>) src(%dma_wait3A_286 : memref<2600000x128xf32, #tpu.memory_space<hbm>>) dst(%dma_wait3A_281 : memref<128x128xf32, #tpu.memory_space<vmem>>)
    %add3A_287 = arith.constant 640 : i32
    %add3A_288 = arith.addi %mul3A_2, %add3A_287 : i32
    %dma_start3A_289 = arith.constant 1 : i32
    %dma_start3A_290 = arith.constant 0 : i32
    %dma_start3A_291 = arith.constant 0 : i32
    %dma_start3A_292 = tpu.memref_slice %arg6[%dma_start3A_289, %dma_start3A_290, %dma_start3A_291] : memref<2x128x128xf32, #tpu.memory_space<vmem>> -> memref<1x128x128xf32, #tpu.memory_space<vmem>>
    %dma_start3A_293 = tpu.memref_squeeze %dma_start3A_292 : memref<1x128x128xf32, #tpu.memory_space<vmem>> -> memref<128x128xf32, #tpu.memory_space<vmem>>
    %dma_start3A_294 = arith.constant 0 : i32
    %dma_start3A_295 = tpu.memref_slice %arg4[%add3A_288, %dma_start3A_294] : memref<106496x128xf32, #tpu.memory_space<hbm>> -> memref<128x128xf32, #tpu.memory_space<hbm>>
    %dma_start3A_296 = arith.constant 0 : i32
    %dma_start3A_297 = tpu.memref_slice %arg4[%add3A_288, %dma_start3A_296] : memref<106496x128xf32, #tpu.memory_space<hbm>> -> memref<128x128xf32, #tpu.memory_space<hbm>>
    %dma_start3A_298 = arith.constant 0 : i32
    %dma_start3A_299 = arith.constant 0 : i32
    %dma_start3A_300 = tpu.memref_slice %arg6[%dma_start3A_289, %dma_start3A_298, %dma_start3A_299] : memref<2x128x128xf32, #tpu.memory_space<vmem>> -> memref<1x128x128xf32, #tpu.memory_space<vmem>>
    %dma_start3A_301 = tpu.memref_squeeze %dma_start3A_300 : memref<1x128x128xf32, #tpu.memory_space<vmem>> -> memref<128x128xf32, #tpu.memory_space<vmem>>
    tpu.enqueue_dma source(%dma_start3A_301 : memref<128x128xf32, #tpu.memory_space<vmem>>) target(%dma_start3A_297 : memref<128x128xf32, #tpu.memory_space<hbm>>) target_semaphore(%arg10 : memref<!tpu.dma_semaphore, #tpu.memory_space<semaphore_mem>>)
    %add3A_302 = arith.constant 640 : i32
    %add3A_303 = arith.addi %mul3A_2, %add3A_302 : i32
    %dma_wait3A_304 = arith.constant 1 : i32
    %dma_wait3A_305 = arith.constant 0 : i32
    %dma_wait3A_306 = arith.constant 0 : i32
    %dma_wait3A_307 = tpu.memref_slice %arg6[%dma_wait3A_304, %dma_wait3A_305, %dma_wait3A_306] : memref<2x128x128xf32, #tpu.memory_space<vmem>> -> memref<1x128x128xf32, #tpu.memory_space<vmem>>
    %dma_wait3A_308 = tpu.memref_squeeze %dma_wait3A_307 : memref<1x128x128xf32, #tpu.memory_space<vmem>> -> memref<128x128xf32, #tpu.memory_space<vmem>>
    %dma_wait3A_309 = arith.constant 0 : i32
    %dma_wait3A_310 = tpu.memref_slice %arg4[%add3A_303, %dma_wait3A_309] : memref<106496x128xf32, #tpu.memory_space<hbm>> -> memref<128x128xf32, #tpu.memory_space<hbm>>
    %dma_wait3A_311 = arith.constant 0 : i32
    %dma_wait3A_312 = tpu.memref_slice %arg4[%add3A_303, %dma_wait3A_311] : memref<106496x128xf32, #tpu.memory_space<hbm>> -> memref<128x128xf32, #tpu.memory_space<hbm>>
    %dma_wait3A_313 = arith.constant 0 : i32
    %dma_wait3A_314 = arith.constant 0 : i32
    %dma_wait3A_315 = tpu.memref_slice %arg6[%dma_wait3A_304, %dma_wait3A_313, %dma_wait3A_314] : memref<2x128x128xf32, #tpu.memory_space<vmem>> -> memref<1x128x128xf32, #tpu.memory_space<vmem>>
    %dma_wait3A_316 = tpu.memref_squeeze %dma_wait3A_315 : memref<1x128x128xf32, #tpu.memory_space<vmem>> -> memref<128x128xf32, #tpu.memory_space<vmem>>
    tpu.wait_dma2 semaphore(%arg10 : memref<!tpu.dma_semaphore, #tpu.memory_space<semaphore_mem>>) src(%dma_wait3A_316 : memref<128x128xf32, #tpu.memory_space<vmem>>) dst(%dma_wait3A_312 : memref<128x128xf32, #tpu.memory_space<hbm>>)
    %dma_start3A_317 = arith.constant 1 : i32
    %dma_start3A_318 = arith.constant 0 : i32
    %dma_start3A_319 = arith.constant 0 : i32
    %dma_start3A_320 = tpu.memref_slice %arg6[%dma_start3A_317, %dma_start3A_318, %dma_start3A_319] : memref<2x128x128xf32, #tpu.memory_space<vmem>> -> memref<1x128x128xf32, #tpu.memory_space<vmem>>
    %dma_start3A_321 = tpu.memref_squeeze %dma_start3A_320 : memref<1x128x128xf32, #tpu.memory_space<vmem>> -> memref<128x128xf32, #tpu.memory_space<vmem>>
    %dma_start3A_322 = arith.constant 896 : i32
    %dma_start3A_323 = tpu.memref_slice %arg5[%dma_start3A_322] : memref<3328xi32, #tpu.memory_space<vmem>> -> memref<128xi32, #tpu.memory_space<vmem>>
    %dma_start3A_324 = arith.constant 0 : i32
    %dma_start3A_325 = arith.constant 0 : i32
    %dma_start3A_326 = tpu.memref_slice %arg3[%dma_start3A_324, %dma_start3A_325] : memref<2600000x128xf32, #tpu.memory_space<hbm>> -> memref<2600000x128xf32, #tpu.memory_space<hbm>>
    tpu.enqueue_indirect_dma source(%dma_start3A_326 : memref<2600000x128xf32, #tpu.memory_space<hbm>>) target(%dma_start3A_321 : memref<128x128xf32, #tpu.memory_space<vmem>>) offsets(%dma_start3A_323 : memref<128xi32, #tpu.memory_space<vmem>>) semaphore(%arg8 : memref<!tpu.dma_semaphore, #tpu.memory_space<semaphore_mem>>)
    %dma_wait3A_327 = arith.constant 0 : i32
    %dma_wait3A_328 = arith.constant 0 : i32
    %dma_wait3A_329 = arith.constant 0 : i32
    %dma_wait3A_330 = tpu.memref_slice %arg6[%dma_wait3A_327, %dma_wait3A_328, %dma_wait3A_329] : memref<2x128x128xf32, #tpu.memory_space<vmem>> -> memref<1x128x128xf32, #tpu.memory_space<vmem>>
    %dma_wait3A_331 = tpu.memref_squeeze %dma_wait3A_330 : memref<1x128x128xf32, #tpu.memory_space<vmem>> -> memref<128x128xf32, #tpu.memory_space<vmem>>
    %dma_wait3A_332 = arith.constant 768 : i32
    %dma_wait3A_333 = tpu.memref_slice %arg5[%dma_wait3A_332] : memref<3328xi32, #tpu.memory_space<vmem>> -> memref<128xi32, #tpu.memory_space<vmem>>
    %dma_wait3A_334 = arith.constant 0 : i32
    %dma_wait3A_335 = arith.constant 0 : i32
    %dma_wait3A_336 = tpu.memref_slice %arg3[%dma_wait3A_334, %dma_wait3A_335] : memref<2600000x128xf32, #tpu.memory_space<hbm>> -> memref<2600000x128xf32, #tpu.memory_space<hbm>>
    tpu.wait_indirect_dma semaphore(%arg7 : memref<!tpu.dma_semaphore, #tpu.memory_space<semaphore_mem>>) src(%dma_wait3A_336 : memref<2600000x128xf32, #tpu.memory_space<hbm>>) dst(%dma_wait3A_331 : memref<128x128xf32, #tpu.memory_space<vmem>>)
    %add3A_337 = arith.constant 768 : i32
    %add3A_338 = arith.addi %mul3A_2, %add3A_337 : i32
    %dma_start3A_339 = arith.constant 0 : i32
    %dma_start3A_340 = arith.constant 0 : i32
    %dma_start3A_341 = arith.constant 0 : i32
    %dma_start3A_342 = tpu.memref_slice %arg6[%dma_start3A_339, %dma_start3A_340, %dma_start3A_341] : memref<2x128x128xf32, #tpu.memory_space<vmem>> -> memref<1x128x128xf32, #tpu.memory_space<vmem>>
    %dma_start3A_343 = tpu.memref_squeeze %dma_start3A_342 : memref<1x128x128xf32, #tpu.memory_space<vmem>> -> memref<128x128xf32, #tpu.memory_space<vmem>>
    %dma_start3A_344 = arith.constant 0 : i32
    %dma_start3A_345 = tpu.memref_slice %arg4[%add3A_338, %dma_start3A_344] : memref<106496x128xf32, #tpu.memory_space<hbm>> -> memref<128x128xf32, #tpu.memory_space<hbm>>
    %dma_start3A_346 = arith.constant 0 : i32
    %dma_start3A_347 = tpu.memref_slice %arg4[%add3A_338, %dma_start3A_346] : memref<106496x128xf32, #tpu.memory_space<hbm>> -> memref<128x128xf32, #tpu.memory_space<hbm>>
    %dma_start3A_348 = arith.constant 0 : i32
    %dma_start3A_349 = arith.constant 0 : i32
    %dma_start3A_350 = tpu.memref_slice %arg6[%dma_start3A_339, %dma_start3A_348, %dma_start3A_349] : memref<2x128x128xf32, #tpu.memory_space<vmem>> -> memref<1x128x128xf32, #tpu.memory_space<vmem>>
    %dma_start3A_351 = tpu.memref_squeeze %dma_start3A_350 : memref<1x128x128xf32, #tpu.memory_space<vmem>> -> memref<128x128xf32, #tpu.memory_space<vmem>>
    tpu.enqueue_dma source(%dma_start3A_351 : memref<128x128xf32, #tpu.memory_space<vmem>>) target(%dma_start3A_347 : memref<128x128xf32, #tpu.memory_space<hbm>>) target_semaphore(%arg9 : memref<!tpu.dma_semaphore, #tpu.memory_space<semaphore_mem>>)
    %add3A_352 = arith.constant 768 : i32
    %add3A_353 = arith.addi %mul3A_2, %add3A_352 : i32
    %dma_wait3A_354 = arith.constant 0 : i32
    %dma_wait3A_355 = arith.constant 0 : i32
    %dma_wait3A_356 = arith.constant 0 : i32
    %dma_wait3A_357 = tpu.memref_slice %arg6[%dma_wait3A_354, %dma_wait3A_355, %dma_wait3A_356] : memref<2x128x128xf32, #tpu.memory_space<vmem>> -> memref<1x128x128xf32, #tpu.memory_space<vmem>>
    %dma_wait3A_358 = tpu.memref_squeeze %dma_wait3A_357 : memref<1x128x128xf32, #tpu.memory_space<vmem>> -> memref<128x128xf32, #tpu.memory_space<vmem>>
    %dma_wait3A_359 = arith.constant 0 : i32
    %dma_wait3A_360 = tpu.memref_slice %arg4[%add3A_353, %dma_wait3A_359] : memref<106496x128xf32, #tpu.memory_space<hbm>> -> memref<128x128xf32, #tpu.memory_space<hbm>>
    %dma_wait3A_361 = arith.constant 0 : i32
    %dma_wait3A_362 = tpu.memref_slice %arg4[%add3A_353, %dma_wait3A_361] : memref<106496x128xf32, #tpu.memory_space<hbm>> -> memref<128x128xf32, #tpu.memory_space<hbm>>
    %dma_wait3A_363 = arith.constant 0 : i32
    %dma_wait3A_364 = arith.constant 0 : i32
    %dma_wait3A_365 = tpu.memref_slice %arg6[%dma_wait3A_354, %dma_wait3A_363, %dma_wait3A_364] : memref<2x128x128xf32, #tpu.memory_space<vmem>> -> memref<1x128x128xf32, #tpu.memory_space<vmem>>
    %dma_wait3A_366 = tpu.memref_squeeze %dma_wait3A_365 : memref<1x128x128xf32, #tpu.memory_space<vmem>> -> memref<128x128xf32, #tpu.memory_space<vmem>>
    tpu.wait_dma2 semaphore(%arg9 : memref<!tpu.dma_semaphore, #tpu.memory_space<semaphore_mem>>) src(%dma_wait3A_366 : memref<128x128xf32, #tpu.memory_space<vmem>>) dst(%dma_wait3A_362 : memref<128x128xf32, #tpu.memory_space<hbm>>)
    %dma_start3A_367 = arith.constant 0 : i32
    %dma_start3A_368 = arith.constant 0 : i32
    %dma_start3A_369 = arith.constant 0 : i32
    %dma_start3A_370 = tpu.memref_slice %arg6[%dma_start3A_367, %dma_start3A_368, %dma_start3A_369] : memref<2x128x128xf32, #tpu.memory_space<vmem>> -> memref<1x128x128xf32, #tpu.memory_space<vmem>>
    %dma_start3A_371 = tpu.memref_squeeze %dma_start3A_370 : memref<1x128x128xf32, #tpu.memory_space<vmem>> -> memref<128x128xf32, #tpu.memory_space<vmem>>
    %dma_start3A_372 = arith.constant 1024 : i32
    %dma_start3A_373 = tpu.memref_slice %arg5[%dma_start3A_372] : memref<3328xi32, #tpu.memory_space<vmem>> -> memref<128xi32, #tpu.memory_space<vmem>>
    %dma_start3A_374 = arith.constant 0 : i32
    %dma_start3A_375 = arith.constant 0 : i32
    %dma_start3A_376 = tpu.memref_slice %arg3[%dma_start3A_374, %dma_start3A_375] : memref<2600000x128xf32, #tpu.memory_space<hbm>> -> memref<2600000x128xf32, #tpu.memory_space<hbm>>
    tpu.enqueue_indirect_dma source(%dma_start3A_376 : memref<2600000x128xf32, #tpu.memory_space<hbm>>) target(%dma_start3A_371 : memref<128x128xf32, #tpu.memory_space<vmem>>) offsets(%dma_start3A_373 : memref<128xi32, #tpu.memory_space<vmem>>) semaphore(%arg7 : memref<!tpu.dma_semaphore, #tpu.memory_space<semaphore_mem>>)
    %dma_wait3A_377 = arith.constant 1 : i32
    %dma_wait3A_378 = arith.constant 0 : i32
    %dma_wait3A_379 = arith.constant 0 : i32
    %dma_wait3A_380 = tpu.memref_slice %arg6[%dma_wait3A_377, %dma_wait3A_378, %dma_wait3A_379] : memref<2x128x128xf32, #tpu.memory_space<vmem>> -> memref<1x128x128xf32, #tpu.memory_space<vmem>>
    %dma_wait3A_381 = tpu.memref_squeeze %dma_wait3A_380 : memref<1x128x128xf32, #tpu.memory_space<vmem>> -> memref<128x128xf32, #tpu.memory_space<vmem>>
    %dma_wait3A_382 = arith.constant 896 : i32
    %dma_wait3A_383 = tpu.memref_slice %arg5[%dma_wait3A_382] : memref<3328xi32, #tpu.memory_space<vmem>> -> memref<128xi32, #tpu.memory_space<vmem>>
    %dma_wait3A_384 = arith.constant 0 : i32
    %dma_wait3A_385 = arith.constant 0 : i32
    %dma_wait3A_386 = tpu.memref_slice %arg3[%dma_wait3A_384, %dma_wait3A_385] : memref<2600000x128xf32, #tpu.memory_space<hbm>> -> memref<2600000x128xf32, #tpu.memory_space<hbm>>
    tpu.wait_indirect_dma semaphore(%arg8 : memref<!tpu.dma_semaphore, #tpu.memory_space<semaphore_mem>>) src(%dma_wait3A_386 : memref<2600000x128xf32, #tpu.memory_space<hbm>>) dst(%dma_wait3A_381 : memref<128x128xf32, #tpu.memory_space<vmem>>)
    %add3A_387 = arith.constant 896 : i32
    %add3A_388 = arith.addi %mul3A_2, %add3A_387 : i32
    %dma_start3A_389 = arith.constant 1 : i32
    %dma_start3A_390 = arith.constant 0 : i32
    %dma_start3A_391 = arith.constant 0 : i32
    %dma_start3A_392 = tpu.memref_slice %arg6[%dma_start3A_389, %dma_start3A_390, %dma_start3A_391] : memref<2x128x128xf32, #tpu.memory_space<vmem>> -> memref<1x128x128xf32, #tpu.memory_space<vmem>>
    %dma_start3A_393 = tpu.memref_squeeze %dma_start3A_392 : memref<1x128x128xf32, #tpu.memory_space<vmem>> -> memref<128x128xf32, #tpu.memory_space<vmem>>
    %dma_start3A_394 = arith.constant 0 : i32
    %dma_start3A_395 = tpu.memref_slice %arg4[%add3A_388, %dma_start3A_394] : memref<106496x128xf32, #tpu.memory_space<hbm>> -> memref<128x128xf32, #tpu.memory_space<hbm>>
    %dma_start3A_396 = arith.constant 0 : i32
    %dma_start3A_397 = tpu.memref_slice %arg4[%add3A_388, %dma_start3A_396] : memref<106496x128xf32, #tpu.memory_space<hbm>> -> memref<128x128xf32, #tpu.memory_space<hbm>>
    %dma_start3A_398 = arith.constant 0 : i32
    %dma_start3A_399 = arith.constant 0 : i32
    %dma_start3A_400 = tpu.memref_slice %arg6[%dma_start3A_389, %dma_start3A_398, %dma_start3A_399] : memref<2x128x128xf32, #tpu.memory_space<vmem>> -> memref<1x128x128xf32, #tpu.memory_space<vmem>>
    %dma_start3A_401 = tpu.memref_squeeze %dma_start3A_400 : memref<1x128x128xf32, #tpu.memory_space<vmem>> -> memref<128x128xf32, #tpu.memory_space<vmem>>
    tpu.enqueue_dma source(%dma_start3A_401 : memref<128x128xf32, #tpu.memory_space<vmem>>) target(%dma_start3A_397 : memref<128x128xf32, #tpu.memory_space<hbm>>) target_semaphore(%arg10 : memref<!tpu.dma_semaphore, #tpu.memory_space<semaphore_mem>>)
    %add3A_402 = arith.constant 896 : i32
    %add3A_403 = arith.addi %mul3A_2, %add3A_402 : i32
    %dma_wait3A_404 = arith.constant 1 : i32
    %dma_wait3A_405 = arith.constant 0 : i32
    %dma_wait3A_406 = arith.constant 0 : i32
    %dma_wait3A_407 = tpu.memref_slice %arg6[%dma_wait3A_404, %dma_wait3A_405, %dma_wait3A_406] : memref<2x128x128xf32, #tpu.memory_space<vmem>> -> memref<1x128x128xf32, #tpu.memory_space<vmem>>
    %dma_wait3A_408 = tpu.memref_squeeze %dma_wait3A_407 : memref<1x128x128xf32, #tpu.memory_space<vmem>> -> memref<128x128xf32, #tpu.memory_space<vmem>>
    %dma_wait3A_409 = arith.constant 0 : i32
    %dma_wait3A_410 = tpu.memref_slice %arg4[%add3A_403, %dma_wait3A_409] : memref<106496x128xf32, #tpu.memory_space<hbm>> -> memref<128x128xf32, #tpu.memory_space<hbm>>
    %dma_wait3A_411 = arith.constant 0 : i32
    %dma_wait3A_412 = tpu.memref_slice %arg4[%add3A_403, %dma_wait3A_411] : memref<106496x128xf32, #tpu.memory_space<hbm>> -> memref<128x128xf32, #tpu.memory_space<hbm>>
    %dma_wait3A_413 = arith.constant 0 : i32
    %dma_wait3A_414 = arith.constant 0 : i32
    %dma_wait3A_415 = tpu.memref_slice %arg6[%dma_wait3A_404, %dma_wait3A_413, %dma_wait3A_414] : memref<2x128x128xf32, #tpu.memory_space<vmem>> -> memref<1x128x128xf32, #tpu.memory_space<vmem>>
    %dma_wait3A_416 = tpu.memref_squeeze %dma_wait3A_415 : memref<1x128x128xf32, #tpu.memory_space<vmem>> -> memref<128x128xf32, #tpu.memory_space<vmem>>
    tpu.wait_dma2 semaphore(%arg10 : memref<!tpu.dma_semaphore, #tpu.memory_space<semaphore_mem>>) src(%dma_wait3A_416 : memref<128x128xf32, #tpu.memory_space<vmem>>) dst(%dma_wait3A_412 : memref<128x128xf32, #tpu.memory_space<hbm>>)
    %dma_start3A_417 = arith.constant 1 : i32
    %dma_start3A_418 = arith.constant 0 : i32
    %dma_start3A_419 = arith.constant 0 : i32
    %dma_start3A_420 = tpu.memref_slice %arg6[%dma_start3A_417, %dma_start3A_418, %dma_start3A_419] : memref<2x128x128xf32, #tpu.memory_space<vmem>> -> memref<1x128x128xf32, #tpu.memory_space<vmem>>
    %dma_start3A_421 = tpu.memref_squeeze %dma_start3A_420 : memref<1x128x128xf32, #tpu.memory_space<vmem>> -> memref<128x128xf32, #tpu.memory_space<vmem>>
    %dma_start3A_422 = arith.constant 1152 : i32
    %dma_start3A_423 = tpu.memref_slice %arg5[%dma_start3A_422] : memref<3328xi32, #tpu.memory_space<vmem>> -> memref<128xi32, #tpu.memory_space<vmem>>
    %dma_start3A_424 = arith.constant 0 : i32
    %dma_start3A_425 = arith.constant 0 : i32
    %dma_start3A_426 = tpu.memref_slice %arg3[%dma_start3A_424, %dma_start3A_425] : memref<2600000x128xf32, #tpu.memory_space<hbm>> -> memref<2600000x128xf32, #tpu.memory_space<hbm>>
    tpu.enqueue_indirect_dma source(%dma_start3A_426 : memref<2600000x128xf32, #tpu.memory_space<hbm>>) target(%dma_start3A_421 : memref<128x128xf32, #tpu.memory_space<vmem>>) offsets(%dma_start3A_423 : memref<128xi32, #tpu.memory_space<vmem>>) semaphore(%arg8 : memref<!tpu.dma_semaphore, #tpu.memory_space<semaphore_mem>>)
    %dma_wait3A_427 = arith.constant 0 : i32
    %dma_wait3A_428 = arith.constant 0 : i32
    %dma_wait3A_429 = arith.constant 0 : i32
    %dma_wait3A_430 = tpu.memref_slice %arg6[%dma_wait3A_427, %dma_wait3A_428, %dma_wait3A_429] : memref<2x128x128xf32, #tpu.memory_space<vmem>> -> memref<1x128x128xf32, #tpu.memory_space<vmem>>
    %dma_wait3A_431 = tpu.memref_squeeze %dma_wait3A_430 : memref<1x128x128xf32, #tpu.memory_space<vmem>> -> memref<128x128xf32, #tpu.memory_space<vmem>>
    %dma_wait3A_432 = arith.constant 1024 : i32
    %dma_wait3A_433 = tpu.memref_slice %arg5[%dma_wait3A_432] : memref<3328xi32, #tpu.memory_space<vmem>> -> memref<128xi32, #tpu.memory_space<vmem>>
    %dma_wait3A_434 = arith.constant 0 : i32
    %dma_wait3A_435 = arith.constant 0 : i32
    %dma_wait3A_436 = tpu.memref_slice %arg3[%dma_wait3A_434, %dma_wait3A_435] : memref<2600000x128xf32, #tpu.memory_space<hbm>> -> memref<2600000x128xf32, #tpu.memory_space<hbm>>
    tpu.wait_indirect_dma semaphore(%arg7 : memref<!tpu.dma_semaphore, #tpu.memory_space<semaphore_mem>>) src(%dma_wait3A_436 : memref<2600000x128xf32, #tpu.memory_space<hbm>>) dst(%dma_wait3A_431 : memref<128x128xf32, #tpu.memory_space<vmem>>)
    %add3A_437 = arith.constant 1024 : i32
    %add3A_438 = arith.addi %mul3A_2, %add3A_437 : i32
    %dma_start3A_439 = arith.constant 0 : i32
    %dma_start3A_440 = arith.constant 0 : i32
    %dma_start3A_441 = arith.constant 0 : i32
    %dma_start3A_442 = tpu.memref_slice %arg6[%dma_start3A_439, %dma_start3A_440, %dma_start3A_441] : memref<2x128x128xf32, #tpu.memory_space<vmem>> -> memref<1x128x128xf32, #tpu.memory_space<vmem>>
    %dma_start3A_443 = tpu.memref_squeeze %dma_start3A_442 : memref<1x128x128xf32, #tpu.memory_space<vmem>> -> memref<128x128xf32, #tpu.memory_space<vmem>>
    %dma_start3A_444 = arith.constant 0 : i32
    %dma_start3A_445 = tpu.memref_slice %arg4[%add3A_438, %dma_start3A_444] : memref<106496x128xf32, #tpu.memory_space<hbm>> -> memref<128x128xf32, #tpu.memory_space<hbm>>
    %dma_start3A_446 = arith.constant 0 : i32
    %dma_start3A_447 = tpu.memref_slice %arg4[%add3A_438, %dma_start3A_446] : memref<106496x128xf32, #tpu.memory_space<hbm>> -> memref<128x128xf32, #tpu.memory_space<hbm>>
    %dma_start3A_448 = arith.constant 0 : i32
    %dma_start3A_449 = arith.constant 0 : i32
    %dma_start3A_450 = tpu.memref_slice %arg6[%dma_start3A_439, %dma_start3A_448, %dma_start3A_449] : memref<2x128x128xf32, #tpu.memory_space<vmem>> -> memref<1x128x128xf32, #tpu.memory_space<vmem>>
    %dma_start3A_451 = tpu.memref_squeeze %dma_start3A_450 : memref<1x128x128xf32, #tpu.memory_space<vmem>> -> memref<128x128xf32, #tpu.memory_space<vmem>>
    tpu.enqueue_dma source(%dma_start3A_451 : memref<128x128xf32, #tpu.memory_space<vmem>>) target(%dma_start3A_447 : memref<128x128xf32, #tpu.memory_space<hbm>>) target_semaphore(%arg9 : memref<!tpu.dma_semaphore, #tpu.memory_space<semaphore_mem>>)
    %add3A_452 = arith.constant 1024 : i32
    %add3A_453 = arith.addi %mul3A_2, %add3A_452 : i32
    %dma_wait3A_454 = arith.constant 0 : i32
    %dma_wait3A_455 = arith.constant 0 : i32
    %dma_wait3A_456 = arith.constant 0 : i32
    %dma_wait3A_457 = tpu.memref_slice %arg6[%dma_wait3A_454, %dma_wait3A_455, %dma_wait3A_456] : memref<2x128x128xf32, #tpu.memory_space<vmem>> -> memref<1x128x128xf32, #tpu.memory_space<vmem>>
    %dma_wait3A_458 = tpu.memref_squeeze %dma_wait3A_457 : memref<1x128x128xf32, #tpu.memory_space<vmem>> -> memref<128x128xf32, #tpu.memory_space<vmem>>
    %dma_wait3A_459 = arith.constant 0 : i32
    %dma_wait3A_460 = tpu.memref_slice %arg4[%add3A_453, %dma_wait3A_459] : memref<106496x128xf32, #tpu.memory_space<hbm>> -> memref<128x128xf32, #tpu.memory_space<hbm>>
    %dma_wait3A_461 = arith.constant 0 : i32
    %dma_wait3A_462 = tpu.memref_slice %arg4[%add3A_453, %dma_wait3A_461] : memref<106496x128xf32, #tpu.memory_space<hbm>> -> memref<128x128xf32, #tpu.memory_space<hbm>>
    %dma_wait3A_463 = arith.constant 0 : i32
    %dma_wait3A_464 = arith.constant 0 : i32
    %dma_wait3A_465 = tpu.memref_slice %arg6[%dma_wait3A_454, %dma_wait3A_463, %dma_wait3A_464] : memref<2x128x128xf32, #tpu.memory_space<vmem>> -> memref<1x128x128xf32, #tpu.memory_space<vmem>>
    %dma_wait3A_466 = tpu.memref_squeeze %dma_wait3A_465 : memref<1x128x128xf32, #tpu.memory_space<vmem>> -> memref<128x128xf32, #tpu.memory_space<vmem>>
    tpu.wait_dma2 semaphore(%arg9 : memref<!tpu.dma_semaphore, #tpu.memory_space<semaphore_mem>>) src(%dma_wait3A_466 : memref<128x128xf32, #tpu.memory_space<vmem>>) dst(%dma_wait3A_462 : memref<128x128xf32, #tpu.memory_space<hbm>>)
    %dma_start3A_467 = arith.constant 0 : i32
    %dma_start3A_468 = arith.constant 0 : i32
    %dma_start3A_469 = arith.constant 0 : i32
    %dma_start3A_470 = tpu.memref_slice %arg6[%dma_start3A_467, %dma_start3A_468, %dma_start3A_469] : memref<2x128x128xf32, #tpu.memory_space<vmem>> -> memref<1x128x128xf32, #tpu.memory_space<vmem>>
    %dma_start3A_471 = tpu.memref_squeeze %dma_start3A_470 : memref<1x128x128xf32, #tpu.memory_space<vmem>> -> memref<128x128xf32, #tpu.memory_space<vmem>>
    %dma_start3A_472 = arith.constant 1280 : i32
    %dma_start3A_473 = tpu.memref_slice %arg5[%dma_start3A_472] : memref<3328xi32, #tpu.memory_space<vmem>> -> memref<128xi32, #tpu.memory_space<vmem>>
    %dma_start3A_474 = arith.constant 0 : i32
    %dma_start3A_475 = arith.constant 0 : i32
    %dma_start3A_476 = tpu.memref_slice %arg3[%dma_start3A_474, %dma_start3A_475] : memref<2600000x128xf32, #tpu.memory_space<hbm>> -> memref<2600000x128xf32, #tpu.memory_space<hbm>>
    tpu.enqueue_indirect_dma source(%dma_start3A_476 : memref<2600000x128xf32, #tpu.memory_space<hbm>>) target(%dma_start3A_471 : memref<128x128xf32, #tpu.memory_space<vmem>>) offsets(%dma_start3A_473 : memref<128xi32, #tpu.memory_space<vmem>>) semaphore(%arg7 : memref<!tpu.dma_semaphore, #tpu.memory_space<semaphore_mem>>)
    %dma_wait3A_477 = arith.constant 1 : i32
    %dma_wait3A_478 = arith.constant 0 : i32
    %dma_wait3A_479 = arith.constant 0 : i32
    %dma_wait3A_480 = tpu.memref_slice %arg6[%dma_wait3A_477, %dma_wait3A_478, %dma_wait3A_479] : memref<2x128x128xf32, #tpu.memory_space<vmem>> -> memref<1x128x128xf32, #tpu.memory_space<vmem>>
    %dma_wait3A_481 = tpu.memref_squeeze %dma_wait3A_480 : memref<1x128x128xf32, #tpu.memory_space<vmem>> -> memref<128x128xf32, #tpu.memory_space<vmem>>
    %dma_wait3A_482 = arith.constant 1152 : i32
    %dma_wait3A_483 = tpu.memref_slice %arg5[%dma_wait3A_482] : memref<3328xi32, #tpu.memory_space<vmem>> -> memref<128xi32, #tpu.memory_space<vmem>>
    %dma_wait3A_484 = arith.constant 0 : i32
    %dma_wait3A_485 = arith.constant 0 : i32
    %dma_wait3A_486 = tpu.memref_slice %arg3[%dma_wait3A_484, %dma_wait3A_485] : memref<2600000x128xf32, #tpu.memory_space<hbm>> -> memref<2600000x128xf32, #tpu.memory_space<hbm>>
    tpu.wait_indirect_dma semaphore(%arg8 : memref<!tpu.dma_semaphore, #tpu.memory_space<semaphore_mem>>) src(%dma_wait3A_486 : memref<2600000x128xf32, #tpu.memory_space<hbm>>) dst(%dma_wait3A_481 : memref<128x128xf32, #tpu.memory_space<vmem>>)
    %add3A_487 = arith.constant 1152 : i32
    %add3A_488 = arith.addi %mul3A_2, %add3A_487 : i32
    %dma_start3A_489 = arith.constant 1 : i32
    %dma_start3A_490 = arith.constant 0 : i32
    %dma_start3A_491 = arith.constant 0 : i32
    %dma_start3A_492 = tpu.memref_slice %arg6[%dma_start3A_489, %dma_start3A_490, %dma_start3A_491] : memref<2x128x128xf32, #tpu.memory_space<vmem>> -> memref<1x128x128xf32, #tpu.memory_space<vmem>>
    %dma_start3A_493 = tpu.memref_squeeze %dma_start3A_492 : memref<1x128x128xf32, #tpu.memory_space<vmem>> -> memref<128x128xf32, #tpu.memory_space<vmem>>
    %dma_start3A_494 = arith.constant 0 : i32
    %dma_start3A_495 = tpu.memref_slice %arg4[%add3A_488, %dma_start3A_494] : memref<106496x128xf32, #tpu.memory_space<hbm>> -> memref<128x128xf32, #tpu.memory_space<hbm>>
    %dma_start3A_496 = arith.constant 0 : i32
    %dma_start3A_497 = tpu.memref_slice %arg4[%add3A_488, %dma_start3A_496] : memref<106496x128xf32, #tpu.memory_space<hbm>> -> memref<128x128xf32, #tpu.memory_space<hbm>>
    %dma_start3A_498 = arith.constant 0 : i32
    %dma_start3A_499 = arith.constant 0 : i32
    %dma_start3A_500 = tpu.memref_slice %arg6[%dma_start3A_489, %dma_start3A_498, %dma_start3A_499] : memref<2x128x128xf32, #tpu.memory_space<vmem>> -> memref<1x128x128xf32, #tpu.memory_space<vmem>>
    %dma_start3A_501 = tpu.memref_squeeze %dma_start3A_500 : memref<1x128x128xf32, #tpu.memory_space<vmem>> -> memref<128x128xf32, #tpu.memory_space<vmem>>
    tpu.enqueue_dma source(%dma_start3A_501 : memref<128x128xf32, #tpu.memory_space<vmem>>) target(%dma_start3A_497 : memref<128x128xf32, #tpu.memory_space<hbm>>) target_semaphore(%arg10 : memref<!tpu.dma_semaphore, #tpu.memory_space<semaphore_mem>>)
    %add3A_502 = arith.constant 1152 : i32
    %add3A_503 = arith.addi %mul3A_2, %add3A_502 : i32
    %dma_wait3A_504 = arith.constant 1 : i32
    %dma_wait3A_505 = arith.constant 0 : i32
    %dma_wait3A_506 = arith.constant 0 : i32
    %dma_wait3A_507 = tpu.memref_slice %arg6[%dma_wait3A_504, %dma_wait3A_505, %dma_wait3A_506] : memref<2x128x128xf32, #tpu.memory_space<vmem>> -> memref<1x128x128xf32, #tpu.memory_space<vmem>>
    %dma_wait3A_508 = tpu.memref_squeeze %dma_wait3A_507 : memref<1x128x128xf32, #tpu.memory_space<vmem>> -> memref<128x128xf32, #tpu.memory_space<vmem>>
    %dma_wait3A_509 = arith.constant 0 : i32
    %dma_wait3A_510 = tpu.memref_slice %arg4[%add3A_503, %dma_wait3A_509] : memref<106496x128xf32, #tpu.memory_space<hbm>> -> memref<128x128xf32, #tpu.memory_space<hbm>>
    %dma_wait3A_511 = arith.constant 0 : i32
    %dma_wait3A_512 = tpu.memref_slice %arg4[%add3A_503, %dma_wait3A_511] : memref<106496x128xf32, #tpu.memory_space<hbm>> -> memref<128x128xf32, #tpu.memory_space<hbm>>
    %dma_wait3A_513 = arith.constant 0 : i32
    %dma_wait3A_514 = arith.constant 0 : i32
    %dma_wait3A_515 = tpu.memref_slice %arg6[%dma_wait3A_504, %dma_wait3A_513, %dma_wait3A_514] : memref<2x128x128xf32, #tpu.memory_space<vmem>> -> memref<1x128x128xf32, #tpu.memory_space<vmem>>
    %dma_wait3A_516 = tpu.memref_squeeze %dma_wait3A_515 : memref<1x128x128xf32, #tpu.memory_space<vmem>> -> memref<128x128xf32, #tpu.memory_space<vmem>>
    tpu.wait_dma2 semaphore(%arg10 : memref<!tpu.dma_semaphore, #tpu.memory_space<semaphore_mem>>) src(%dma_wait3A_516 : memref<128x128xf32, #tpu.memory_space<vmem>>) dst(%dma_wait3A_512 : memref<128x128xf32, #tpu.memory_space<hbm>>)
    %dma_start3A_517 = arith.constant 1 : i32
    %dma_start3A_518 = arith.constant 0 : i32
    %dma_start3A_519 = arith.constant 0 : i32
    %dma_start3A_520 = tpu.memref_slice %arg6[%dma_start3A_517, %dma_start3A_518, %dma_start3A_519] : memref<2x128x128xf32, #tpu.memory_space<vmem>> -> memref<1x128x128xf32, #tpu.memory_space<vmem>>
    %dma_start3A_521 = tpu.memref_squeeze %dma_start3A_520 : memref<1x128x128xf32, #tpu.memory_space<vmem>> -> memref<128x128xf32, #tpu.memory_space<vmem>>
    %dma_start3A_522 = arith.constant 1408 : i32
    %dma_start3A_523 = tpu.memref_slice %arg5[%dma_start3A_522] : memref<3328xi32, #tpu.memory_space<vmem>> -> memref<128xi32, #tpu.memory_space<vmem>>
    %dma_start3A_524 = arith.constant 0 : i32
    %dma_start3A_525 = arith.constant 0 : i32
    %dma_start3A_526 = tpu.memref_slice %arg3[%dma_start3A_524, %dma_start3A_525] : memref<2600000x128xf32, #tpu.memory_space<hbm>> -> memref<2600000x128xf32, #tpu.memory_space<hbm>>
    tpu.enqueue_indirect_dma source(%dma_start3A_526 : memref<2600000x128xf32, #tpu.memory_space<hbm>>) target(%dma_start3A_521 : memref<128x128xf32, #tpu.memory_space<vmem>>) offsets(%dma_start3A_523 : memref<128xi32, #tpu.memory_space<vmem>>) semaphore(%arg8 : memref<!tpu.dma_semaphore, #tpu.memory_space<semaphore_mem>>)
    %dma_wait3A_527 = arith.constant 0 : i32
    %dma_wait3A_528 = arith.constant 0 : i32
    %dma_wait3A_529 = arith.constant 0 : i32
    %dma_wait3A_530 = tpu.memref_slice %arg6[%dma_wait3A_527, %dma_wait3A_528, %dma_wait3A_529] : memref<2x128x128xf32, #tpu.memory_space<vmem>> -> memref<1x128x128xf32, #tpu.memory_space<vmem>>
    %dma_wait3A_531 = tpu.memref_squeeze %dma_wait3A_530 : memref<1x128x128xf32, #tpu.memory_space<vmem>> -> memref<128x128xf32, #tpu.memory_space<vmem>>
    %dma_wait3A_532 = arith.constant 1280 : i32
    %dma_wait3A_533 = tpu.memref_slice %arg5[%dma_wait3A_532] : memref<3328xi32, #tpu.memory_space<vmem>> -> memref<128xi32, #tpu.memory_space<vmem>>
    %dma_wait3A_534 = arith.constant 0 : i32
    %dma_wait3A_535 = arith.constant 0 : i32
    %dma_wait3A_536 = tpu.memref_slice %arg3[%dma_wait3A_534, %dma_wait3A_535] : memref<2600000x128xf32, #tpu.memory_space<hbm>> -> memref<2600000x128xf32, #tpu.memory_space<hbm>>
    tpu.wait_indirect_dma semaphore(%arg7 : memref<!tpu.dma_semaphore, #tpu.memory_space<semaphore_mem>>) src(%dma_wait3A_536 : memref<2600000x128xf32, #tpu.memory_space<hbm>>) dst(%dma_wait3A_531 : memref<128x128xf32, #tpu.memory_space<vmem>>)
    %add3A_537 = arith.constant 1280 : i32
    %add3A_538 = arith.addi %mul3A_2, %add3A_537 : i32
    %dma_start3A_539 = arith.constant 0 : i32
    %dma_start3A_540 = arith.constant 0 : i32
    %dma_start3A_541 = arith.constant 0 : i32
    %dma_start3A_542 = tpu.memref_slice %arg6[%dma_start3A_539, %dma_start3A_540, %dma_start3A_541] : memref<2x128x128xf32, #tpu.memory_space<vmem>> -> memref<1x128x128xf32, #tpu.memory_space<vmem>>
    %dma_start3A_543 = tpu.memref_squeeze %dma_start3A_542 : memref<1x128x128xf32, #tpu.memory_space<vmem>> -> memref<128x128xf32, #tpu.memory_space<vmem>>
    %dma_start3A_544 = arith.constant 0 : i32
    %dma_start3A_545 = tpu.memref_slice %arg4[%add3A_538, %dma_start3A_544] : memref<106496x128xf32, #tpu.memory_space<hbm>> -> memref<128x128xf32, #tpu.memory_space<hbm>>
    %dma_start3A_546 = arith.constant 0 : i32
    %dma_start3A_547 = tpu.memref_slice %arg4[%add3A_538, %dma_start3A_546] : memref<106496x128xf32, #tpu.memory_space<hbm>> -> memref<128x128xf32, #tpu.memory_space<hbm>>
    %dma_start3A_548 = arith.constant 0 : i32
    %dma_start3A_549 = arith.constant 0 : i32
    %dma_start3A_550 = tpu.memref_slice %arg6[%dma_start3A_539, %dma_start3A_548, %dma_start3A_549] : memref<2x128x128xf32, #tpu.memory_space<vmem>> -> memref<1x128x128xf32, #tpu.memory_space<vmem>>
    %dma_start3A_551 = tpu.memref_squeeze %dma_start3A_550 : memref<1x128x128xf32, #tpu.memory_space<vmem>> -> memref<128x128xf32, #tpu.memory_space<vmem>>
    tpu.enqueue_dma source(%dma_start3A_551 : memref<128x128xf32, #tpu.memory_space<vmem>>) target(%dma_start3A_547 : memref<128x128xf32, #tpu.memory_space<hbm>>) target_semaphore(%arg9 : memref<!tpu.dma_semaphore, #tpu.memory_space<semaphore_mem>>)
    %add3A_552 = arith.constant 1280 : i32
    %add3A_553 = arith.addi %mul3A_2, %add3A_552 : i32
    %dma_wait3A_554 = arith.constant 0 : i32
    %dma_wait3A_555 = arith.constant 0 : i32
    %dma_wait3A_556 = arith.constant 0 : i32
    %dma_wait3A_557 = tpu.memref_slice %arg6[%dma_wait3A_554, %dma_wait3A_555, %dma_wait3A_556] : memref<2x128x128xf32, #tpu.memory_space<vmem>> -> memref<1x128x128xf32, #tpu.memory_space<vmem>>
    %dma_wait3A_558 = tpu.memref_squeeze %dma_wait3A_557 : memref<1x128x128xf32, #tpu.memory_space<vmem>> -> memref<128x128xf32, #tpu.memory_space<vmem>>
    %dma_wait3A_559 = arith.constant 0 : i32
    %dma_wait3A_560 = tpu.memref_slice %arg4[%add3A_553, %dma_wait3A_559] : memref<106496x128xf32, #tpu.memory_space<hbm>> -> memref<128x128xf32, #tpu.memory_space<hbm>>
    %dma_wait3A_561 = arith.constant 0 : i32
    %dma_wait3A_562 = tpu.memref_slice %arg4[%add3A_553, %dma_wait3A_561] : memref<106496x128xf32, #tpu.memory_space<hbm>> -> memref<128x128xf32, #tpu.memory_space<hbm>>
    %dma_wait3A_563 = arith.constant 0 : i32
    %dma_wait3A_564 = arith.constant 0 : i32
    %dma_wait3A_565 = tpu.memref_slice %arg6[%dma_wait3A_554, %dma_wait3A_563, %dma_wait3A_564] : memref<2x128x128xf32, #tpu.memory_space<vmem>> -> memref<1x128x128xf32, #tpu.memory_space<vmem>>
    %dma_wait3A_566 = tpu.memref_squeeze %dma_wait3A_565 : memref<1x128x128xf32, #tpu.memory_space<vmem>> -> memref<128x128xf32, #tpu.memory_space<vmem>>
    tpu.wait_dma2 semaphore(%arg9 : memref<!tpu.dma_semaphore, #tpu.memory_space<semaphore_mem>>) src(%dma_wait3A_566 : memref<128x128xf32, #tpu.memory_space<vmem>>) dst(%dma_wait3A_562 : memref<128x128xf32, #tpu.memory_space<hbm>>)
    %dma_start3A_567 = arith.constant 0 : i32
    %dma_start3A_568 = arith.constant 0 : i32
    %dma_start3A_569 = arith.constant 0 : i32
    %dma_start3A_570 = tpu.memref_slice %arg6[%dma_start3A_567, %dma_start3A_568, %dma_start3A_569] : memref<2x128x128xf32, #tpu.memory_space<vmem>> -> memref<1x128x128xf32, #tpu.memory_space<vmem>>
    %dma_start3A_571 = tpu.memref_squeeze %dma_start3A_570 : memref<1x128x128xf32, #tpu.memory_space<vmem>> -> memref<128x128xf32, #tpu.memory_space<vmem>>
    %dma_start3A_572 = arith.constant 1536 : i32
    %dma_start3A_573 = tpu.memref_slice %arg5[%dma_start3A_572] : memref<3328xi32, #tpu.memory_space<vmem>> -> memref<128xi32, #tpu.memory_space<vmem>>
    %dma_start3A_574 = arith.constant 0 : i32
    %dma_start3A_575 = arith.constant 0 : i32
    %dma_start3A_576 = tpu.memref_slice %arg3[%dma_start3A_574, %dma_start3A_575] : memref<2600000x128xf32, #tpu.memory_space<hbm>> -> memref<2600000x128xf32, #tpu.memory_space<hbm>>
    tpu.enqueue_indirect_dma source(%dma_start3A_576 : memref<2600000x128xf32, #tpu.memory_space<hbm>>) target(%dma_start3A_571 : memref<128x128xf32, #tpu.memory_space<vmem>>) offsets(%dma_start3A_573 : memref<128xi32, #tpu.memory_space<vmem>>) semaphore(%arg7 : memref<!tpu.dma_semaphore, #tpu.memory_space<semaphore_mem>>)
    %dma_wait3A_577 = arith.constant 1 : i32
    %dma_wait3A_578 = arith.constant 0 : i32
    %dma_wait3A_579 = arith.constant 0 : i32
    %dma_wait3A_580 = tpu.memref_slice %arg6[%dma_wait3A_577, %dma_wait3A_578, %dma_wait3A_579] : memref<2x128x128xf32, #tpu.memory_space<vmem>> -> memref<1x128x128xf32, #tpu.memory_space<vmem>>
    %dma_wait3A_581 = tpu.memref_squeeze %dma_wait3A_580 : memref<1x128x128xf32, #tpu.memory_space<vmem>> -> memref<128x128xf32, #tpu.memory_space<vmem>>
    %dma_wait3A_582 = arith.constant 1408 : i32
    %dma_wait3A_583 = tpu.memref_slice %arg5[%dma_wait3A_582] : memref<3328xi32, #tpu.memory_space<vmem>> -> memref<128xi32, #tpu.memory_space<vmem>>
    %dma_wait3A_584 = arith.constant 0 : i32
    %dma_wait3A_585 = arith.constant 0 : i32
    %dma_wait3A_586 = tpu.memref_slice %arg3[%dma_wait3A_584, %dma_wait3A_585] : memref<2600000x128xf32, #tpu.memory_space<hbm>> -> memref<2600000x128xf32, #tpu.memory_space<hbm>>
    tpu.wait_indirect_dma semaphore(%arg8 : memref<!tpu.dma_semaphore, #tpu.memory_space<semaphore_mem>>) src(%dma_wait3A_586 : memref<2600000x128xf32, #tpu.memory_space<hbm>>) dst(%dma_wait3A_581 : memref<128x128xf32, #tpu.memory_space<vmem>>)
    %add3A_587 = arith.constant 1408 : i32
    %add3A_588 = arith.addi %mul3A_2, %add3A_587 : i32
    %dma_start3A_589 = arith.constant 1 : i32
    %dma_start3A_590 = arith.constant 0 : i32
    %dma_start3A_591 = arith.constant 0 : i32
    %dma_start3A_592 = tpu.memref_slice %arg6[%dma_start3A_589, %dma_start3A_590, %dma_start3A_591] : memref<2x128x128xf32, #tpu.memory_space<vmem>> -> memref<1x128x128xf32, #tpu.memory_space<vmem>>
    %dma_start3A_593 = tpu.memref_squeeze %dma_start3A_592 : memref<1x128x128xf32, #tpu.memory_space<vmem>> -> memref<128x128xf32, #tpu.memory_space<vmem>>
    %dma_start3A_594 = arith.constant 0 : i32
    %dma_start3A_595 = tpu.memref_slice %arg4[%add3A_588, %dma_start3A_594] : memref<106496x128xf32, #tpu.memory_space<hbm>> -> memref<128x128xf32, #tpu.memory_space<hbm>>
    %dma_start3A_596 = arith.constant 0 : i32
    %dma_start3A_597 = tpu.memref_slice %arg4[%add3A_588, %dma_start3A_596] : memref<106496x128xf32, #tpu.memory_space<hbm>> -> memref<128x128xf32, #tpu.memory_space<hbm>>
    %dma_start3A_598 = arith.constant 0 : i32
    %dma_start3A_599 = arith.constant 0 : i32
    %dma_start3A_600 = tpu.memref_slice %arg6[%dma_start3A_589, %dma_start3A_598, %dma_start3A_599] : memref<2x128x128xf32, #tpu.memory_space<vmem>> -> memref<1x128x128xf32, #tpu.memory_space<vmem>>
    %dma_start3A_601 = tpu.memref_squeeze %dma_start3A_600 : memref<1x128x128xf32, #tpu.memory_space<vmem>> -> memref<128x128xf32, #tpu.memory_space<vmem>>
    tpu.enqueue_dma source(%dma_start3A_601 : memref<128x128xf32, #tpu.memory_space<vmem>>) target(%dma_start3A_597 : memref<128x128xf32, #tpu.memory_space<hbm>>) target_semaphore(%arg10 : memref<!tpu.dma_semaphore, #tpu.memory_space<semaphore_mem>>)
    %add3A_602 = arith.constant 1408 : i32
    %add3A_603 = arith.addi %mul3A_2, %add3A_602 : i32
    %dma_wait3A_604 = arith.constant 1 : i32
    %dma_wait3A_605 = arith.constant 0 : i32
    %dma_wait3A_606 = arith.constant 0 : i32
    %dma_wait3A_607 = tpu.memref_slice %arg6[%dma_wait3A_604, %dma_wait3A_605, %dma_wait3A_606] : memref<2x128x128xf32, #tpu.memory_space<vmem>> -> memref<1x128x128xf32, #tpu.memory_space<vmem>>
    %dma_wait3A_608 = tpu.memref_squeeze %dma_wait3A_607 : memref<1x128x128xf32, #tpu.memory_space<vmem>> -> memref<128x128xf32, #tpu.memory_space<vmem>>
    %dma_wait3A_609 = arith.constant 0 : i32
    %dma_wait3A_610 = tpu.memref_slice %arg4[%add3A_603, %dma_wait3A_609] : memref<106496x128xf32, #tpu.memory_space<hbm>> -> memref<128x128xf32, #tpu.memory_space<hbm>>
    %dma_wait3A_611 = arith.constant 0 : i32
    %dma_wait3A_612 = tpu.memref_slice %arg4[%add3A_603, %dma_wait3A_611] : memref<106496x128xf32, #tpu.memory_space<hbm>> -> memref<128x128xf32, #tpu.memory_space<hbm>>
    %dma_wait3A_613 = arith.constant 0 : i32
    %dma_wait3A_614 = arith.constant 0 : i32
    %dma_wait3A_615 = tpu.memref_slice %arg6[%dma_wait3A_604, %dma_wait3A_613, %dma_wait3A_614] : memref<2x128x128xf32, #tpu.memory_space<vmem>> -> memref<1x128x128xf32, #tpu.memory_space<vmem>>
    %dma_wait3A_616 = tpu.memref_squeeze %dma_wait3A_615 : memref<1x128x128xf32, #tpu.memory_space<vmem>> -> memref<128x128xf32, #tpu.memory_space<vmem>>
    tpu.wait_dma2 semaphore(%arg10 : memref<!tpu.dma_semaphore, #tpu.memory_space<semaphore_mem>>) src(%dma_wait3A_616 : memref<128x128xf32, #tpu.memory_space<vmem>>) dst(%dma_wait3A_612 : memref<128x128xf32, #tpu.memory_space<hbm>>)
    %dma_start3A_617 = arith.constant 1 : i32
    %dma_start3A_618 = arith.constant 0 : i32
    %dma_start3A_619 = arith.constant 0 : i32
    %dma_start3A_620 = tpu.memref_slice %arg6[%dma_start3A_617, %dma_start3A_618, %dma_start3A_619] : memref<2x128x128xf32, #tpu.memory_space<vmem>> -> memref<1x128x128xf32, #tpu.memory_space<vmem>>
    %dma_start3A_621 = tpu.memref_squeeze %dma_start3A_620 : memref<1x128x128xf32, #tpu.memory_space<vmem>> -> memref<128x128xf32, #tpu.memory_space<vmem>>
    %dma_start3A_622 = arith.constant 1664 : i32
    %dma_start3A_623 = tpu.memref_slice %arg5[%dma_start3A_622] : memref<3328xi32, #tpu.memory_space<vmem>> -> memref<128xi32, #tpu.memory_space<vmem>>
    %dma_start3A_624 = arith.constant 0 : i32
    %dma_start3A_625 = arith.constant 0 : i32
    %dma_start3A_626 = tpu.memref_slice %arg3[%dma_start3A_624, %dma_start3A_625] : memref<2600000x128xf32, #tpu.memory_space<hbm>> -> memref<2600000x128xf32, #tpu.memory_space<hbm>>
    tpu.enqueue_indirect_dma source(%dma_start3A_626 : memref<2600000x128xf32, #tpu.memory_space<hbm>>) target(%dma_start3A_621 : memref<128x128xf32, #tpu.memory_space<vmem>>) offsets(%dma_start3A_623 : memref<128xi32, #tpu.memory_space<vmem>>) semaphore(%arg8 : memref<!tpu.dma_semaphore, #tpu.memory_space<semaphore_mem>>)
    %dma_wait3A_627 = arith.constant 0 : i32
    %dma_wait3A_628 = arith.constant 0 : i32
    %dma_wait3A_629 = arith.constant 0 : i32
    %dma_wait3A_630 = tpu.memref_slice %arg6[%dma_wait3A_627, %dma_wait3A_628, %dma_wait3A_629] : memref<2x128x128xf32, #tpu.memory_space<vmem>> -> memref<1x128x128xf32, #tpu.memory_space<vmem>>
    %dma_wait3A_631 = tpu.memref_squeeze %dma_wait3A_630 : memref<1x128x128xf32, #tpu.memory_space<vmem>> -> memref<128x128xf32, #tpu.memory_space<vmem>>
    %dma_wait3A_632 = arith.constant 1536 : i32
    %dma_wait3A_633 = tpu.memref_slice %arg5[%dma_wait3A_632] : memref<3328xi32, #tpu.memory_space<vmem>> -> memref<128xi32, #tpu.memory_space<vmem>>
    %dma_wait3A_634 = arith.constant 0 : i32
    %dma_wait3A_635 = arith.constant 0 : i32
    %dma_wait3A_636 = tpu.memref_slice %arg3[%dma_wait3A_634, %dma_wait3A_635] : memref<2600000x128xf32, #tpu.memory_space<hbm>> -> memref<2600000x128xf32, #tpu.memory_space<hbm>>
    tpu.wait_indirect_dma semaphore(%arg7 : memref<!tpu.dma_semaphore, #tpu.memory_space<semaphore_mem>>) src(%dma_wait3A_636 : memref<2600000x128xf32, #tpu.memory_space<hbm>>) dst(%dma_wait3A_631 : memref<128x128xf32, #tpu.memory_space<vmem>>)
    %add3A_637 = arith.constant 1536 : i32
    %add3A_638 = arith.addi %mul3A_2, %add3A_637 : i32
    %dma_start3A_639 = arith.constant 0 : i32
    %dma_start3A_640 = arith.constant 0 : i32
    %dma_start3A_641 = arith.constant 0 : i32
    %dma_start3A_642 = tpu.memref_slice %arg6[%dma_start3A_639, %dma_start3A_640, %dma_start3A_641] : memref<2x128x128xf32, #tpu.memory_space<vmem>> -> memref<1x128x128xf32, #tpu.memory_space<vmem>>
    %dma_start3A_643 = tpu.memref_squeeze %dma_start3A_642 : memref<1x128x128xf32, #tpu.memory_space<vmem>> -> memref<128x128xf32, #tpu.memory_space<vmem>>
    %dma_start3A_644 = arith.constant 0 : i32
    %dma_start3A_645 = tpu.memref_slice %arg4[%add3A_638, %dma_start3A_644] : memref<106496x128xf32, #tpu.memory_space<hbm>> -> memref<128x128xf32, #tpu.memory_space<hbm>>
    %dma_start3A_646 = arith.constant 0 : i32
    %dma_start3A_647 = tpu.memref_slice %arg4[%add3A_638, %dma_start3A_646] : memref<106496x128xf32, #tpu.memory_space<hbm>> -> memref<128x128xf32, #tpu.memory_space<hbm>>
    %dma_start3A_648 = arith.constant 0 : i32
    %dma_start3A_649 = arith.constant 0 : i32
    %dma_start3A_650 = tpu.memref_slice %arg6[%dma_start3A_639, %dma_start3A_648, %dma_start3A_649] : memref<2x128x128xf32, #tpu.memory_space<vmem>> -> memref<1x128x128xf32, #tpu.memory_space<vmem>>
    %dma_start3A_651 = tpu.memref_squeeze %dma_start3A_650 : memref<1x128x128xf32, #tpu.memory_space<vmem>> -> memref<128x128xf32, #tpu.memory_space<vmem>>
    tpu.enqueue_dma source(%dma_start3A_651 : memref<128x128xf32, #tpu.memory_space<vmem>>) target(%dma_start3A_647 : memref<128x128xf32, #tpu.memory_space<hbm>>) target_semaphore(%arg9 : memref<!tpu.dma_semaphore, #tpu.memory_space<semaphore_mem>>)
    %add3A_652 = arith.constant 1536 : i32
    %add3A_653 = arith.addi %mul3A_2, %add3A_652 : i32
    %dma_wait3A_654 = arith.constant 0 : i32
    %dma_wait3A_655 = arith.constant 0 : i32
    %dma_wait3A_656 = arith.constant 0 : i32
    %dma_wait3A_657 = tpu.memref_slice %arg6[%dma_wait3A_654, %dma_wait3A_655, %dma_wait3A_656] : memref<2x128x128xf32, #tpu.memory_space<vmem>> -> memref<1x128x128xf32, #tpu.memory_space<vmem>>
    %dma_wait3A_658 = tpu.memref_squeeze %dma_wait3A_657 : memref<1x128x128xf32, #tpu.memory_space<vmem>> -> memref<128x128xf32, #tpu.memory_space<vmem>>
    %dma_wait3A_659 = arith.constant 0 : i32
    %dma_wait3A_660 = tpu.memref_slice %arg4[%add3A_653, %dma_wait3A_659] : memref<106496x128xf32, #tpu.memory_space<hbm>> -> memref<128x128xf32, #tpu.memory_space<hbm>>
    %dma_wait3A_661 = arith.constant 0 : i32
    %dma_wait3A_662 = tpu.memref_slice %arg4[%add3A_653, %dma_wait3A_661] : memref<106496x128xf32, #tpu.memory_space<hbm>> -> memref<128x128xf32, #tpu.memory_space<hbm>>
    %dma_wait3A_663 = arith.constant 0 : i32
    %dma_wait3A_664 = arith.constant 0 : i32
    %dma_wait3A_665 = tpu.memref_slice %arg6[%dma_wait3A_654, %dma_wait3A_663, %dma_wait3A_664] : memref<2x128x128xf32, #tpu.memory_space<vmem>> -> memref<1x128x128xf32, #tpu.memory_space<vmem>>
    %dma_wait3A_666 = tpu.memref_squeeze %dma_wait3A_665 : memref<1x128x128xf32, #tpu.memory_space<vmem>> -> memref<128x128xf32, #tpu.memory_space<vmem>>
    tpu.wait_dma2 semaphore(%arg9 : memref<!tpu.dma_semaphore, #tpu.memory_space<semaphore_mem>>) src(%dma_wait3A_666 : memref<128x128xf32, #tpu.memory_space<vmem>>) dst(%dma_wait3A_662 : memref<128x128xf32, #tpu.memory_space<hbm>>)
    %dma_start3A_667 = arith.constant 0 : i32
    %dma_start3A_668 = arith.constant 0 : i32
    %dma_start3A_669 = arith.constant 0 : i32
    %dma_start3A_670 = tpu.memref_slice %arg6[%dma_start3A_667, %dma_start3A_668, %dma_start3A_669] : memref<2x128x128xf32, #tpu.memory_space<vmem>> -> memref<1x128x128xf32, #tpu.memory_space<vmem>>
    %dma_start3A_671 = tpu.memref_squeeze %dma_start3A_670 : memref<1x128x128xf32, #tpu.memory_space<vmem>> -> memref<128x128xf32, #tpu.memory_space<vmem>>
    %dma_start3A_672 = arith.constant 1792 : i32
    %dma_start3A_673 = tpu.memref_slice %arg5[%dma_start3A_672] : memref<3328xi32, #tpu.memory_space<vmem>> -> memref<128xi32, #tpu.memory_space<vmem>>
    %dma_start3A_674 = arith.constant 0 : i32
    %dma_start3A_675 = arith.constant 0 : i32
    %dma_start3A_676 = tpu.memref_slice %arg3[%dma_start3A_674, %dma_start3A_675] : memref<2600000x128xf32, #tpu.memory_space<hbm>> -> memref<2600000x128xf32, #tpu.memory_space<hbm>>
    tpu.enqueue_indirect_dma source(%dma_start3A_676 : memref<2600000x128xf32, #tpu.memory_space<hbm>>) target(%dma_start3A_671 : memref<128x128xf32, #tpu.memory_space<vmem>>) offsets(%dma_start3A_673 : memref<128xi32, #tpu.memory_space<vmem>>) semaphore(%arg7 : memref<!tpu.dma_semaphore, #tpu.memory_space<semaphore_mem>>)
    %dma_wait3A_677 = arith.constant 1 : i32
    %dma_wait3A_678 = arith.constant 0 : i32
    %dma_wait3A_679 = arith.constant 0 : i32
    %dma_wait3A_680 = tpu.memref_slice %arg6[%dma_wait3A_677, %dma_wait3A_678, %dma_wait3A_679] : memref<2x128x128xf32, #tpu.memory_space<vmem>> -> memref<1x128x128xf32, #tpu.memory_space<vmem>>
    %dma_wait3A_681 = tpu.memref_squeeze %dma_wait3A_680 : memref<1x128x128xf32, #tpu.memory_space<vmem>> -> memref<128x128xf32, #tpu.memory_space<vmem>>
    %dma_wait3A_682 = arith.constant 1664 : i32
    %dma_wait3A_683 = tpu.memref_slice %arg5[%dma_wait3A_682] : memref<3328xi32, #tpu.memory_space<vmem>> -> memref<128xi32, #tpu.memory_space<vmem>>
    %dma_wait3A_684 = arith.constant 0 : i32
    %dma_wait3A_685 = arith.constant 0 : i32
    %dma_wait3A_686 = tpu.memref_slice %arg3[%dma_wait3A_684, %dma_wait3A_685] : memref<2600000x128xf32, #tpu.memory_space<hbm>> -> memref<2600000x128xf32, #tpu.memory_space<hbm>>
    tpu.wait_indirect_dma semaphore(%arg8 : memref<!tpu.dma_semaphore, #tpu.memory_space<semaphore_mem>>) src(%dma_wait3A_686 : memref<2600000x128xf32, #tpu.memory_space<hbm>>) dst(%dma_wait3A_681 : memref<128x128xf32, #tpu.memory_space<vmem>>)
    %add3A_687 = arith.constant 1664 : i32
    %add3A_688 = arith.addi %mul3A_2, %add3A_687 : i32
    %dma_start3A_689 = arith.constant 1 : i32
    %dma_start3A_690 = arith.constant 0 : i32
    %dma_start3A_691 = arith.constant 0 : i32
    %dma_start3A_692 = tpu.memref_slice %arg6[%dma_start3A_689, %dma_start3A_690, %dma_start3A_691] : memref<2x128x128xf32, #tpu.memory_space<vmem>> -> memref<1x128x128xf32, #tpu.memory_space<vmem>>
    %dma_start3A_693 = tpu.memref_squeeze %dma_start3A_692 : memref<1x128x128xf32, #tpu.memory_space<vmem>> -> memref<128x128xf32, #tpu.memory_space<vmem>>
    %dma_start3A_694 = arith.constant 0 : i32
    %dma_start3A_695 = tpu.memref_slice %arg4[%add3A_688, %dma_start3A_694] : memref<106496x128xf32, #tpu.memory_space<hbm>> -> memref<128x128xf32, #tpu.memory_space<hbm>>
    %dma_start3A_696 = arith.constant 0 : i32
    %dma_start3A_697 = tpu.memref_slice %arg4[%add3A_688, %dma_start3A_696] : memref<106496x128xf32, #tpu.memory_space<hbm>> -> memref<128x128xf32, #tpu.memory_space<hbm>>
    %dma_start3A_698 = arith.constant 0 : i32
    %dma_start3A_699 = arith.constant 0 : i32
    %dma_start3A_700 = tpu.memref_slice %arg6[%dma_start3A_689, %dma_start3A_698, %dma_start3A_699] : memref<2x128x128xf32, #tpu.memory_space<vmem>> -> memref<1x128x128xf32, #tpu.memory_space<vmem>>
    %dma_start3A_701 = tpu.memref_squeeze %dma_start3A_700 : memref<1x128x128xf32, #tpu.memory_space<vmem>> -> memref<128x128xf32, #tpu.memory_space<vmem>>
    tpu.enqueue_dma source(%dma_start3A_701 : memref<128x128xf32, #tpu.memory_space<vmem>>) target(%dma_start3A_697 : memref<128x128xf32, #tpu.memory_space<hbm>>) target_semaphore(%arg10 : memref<!tpu.dma_semaphore, #tpu.memory_space<semaphore_mem>>)
    %add3A_702 = arith.constant 1664 : i32
    %add3A_703 = arith.addi %mul3A_2, %add3A_702 : i32
    %dma_wait3A_704 = arith.constant 1 : i32
    %dma_wait3A_705 = arith.constant 0 : i32
    %dma_wait3A_706 = arith.constant 0 : i32
    %dma_wait3A_707 = tpu.memref_slice %arg6[%dma_wait3A_704, %dma_wait3A_705, %dma_wait3A_706] : memref<2x128x128xf32, #tpu.memory_space<vmem>> -> memref<1x128x128xf32, #tpu.memory_space<vmem>>
    %dma_wait3A_708 = tpu.memref_squeeze %dma_wait3A_707 : memref<1x128x128xf32, #tpu.memory_space<vmem>> -> memref<128x128xf32, #tpu.memory_space<vmem>>
    %dma_wait3A_709 = arith.constant 0 : i32
    %dma_wait3A_710 = tpu.memref_slice %arg4[%add3A_703, %dma_wait3A_709] : memref<106496x128xf32, #tpu.memory_space<hbm>> -> memref<128x128xf32, #tpu.memory_space<hbm>>
    %dma_wait3A_711 = arith.constant 0 : i32
    %dma_wait3A_712 = tpu.memref_slice %arg4[%add3A_703, %dma_wait3A_711] : memref<106496x128xf32, #tpu.memory_space<hbm>> -> memref<128x128xf32, #tpu.memory_space<hbm>>
    %dma_wait3A_713 = arith.constant 0 : i32
    %dma_wait3A_714 = arith.constant 0 : i32
    %dma_wait3A_715 = tpu.memref_slice %arg6[%dma_wait3A_704, %dma_wait3A_713, %dma_wait3A_714] : memref<2x128x128xf32, #tpu.memory_space<vmem>> -> memref<1x128x128xf32, #tpu.memory_space<vmem>>
    %dma_wait3A_716 = tpu.memref_squeeze %dma_wait3A_715 : memref<1x128x128xf32, #tpu.memory_space<vmem>> -> memref<128x128xf32, #tpu.memory_space<vmem>>
    tpu.wait_dma2 semaphore(%arg10 : memref<!tpu.dma_semaphore, #tpu.memory_space<semaphore_mem>>) src(%dma_wait3A_716 : memref<128x128xf32, #tpu.memory_space<vmem>>) dst(%dma_wait3A_712 : memref<128x128xf32, #tpu.memory_space<hbm>>)
    %dma_start3A_717 = arith.constant 1 : i32
    %dma_start3A_718 = arith.constant 0 : i32
    %dma_start3A_719 = arith.constant 0 : i32
    %dma_start3A_720 = tpu.memref_slice %arg6[%dma_start3A_717, %dma_start3A_718, %dma_start3A_719] : memref<2x128x128xf32, #tpu.memory_space<vmem>> -> memref<1x128x128xf32, #tpu.memory_space<vmem>>
    %dma_start3A_721 = tpu.memref_squeeze %dma_start3A_720 : memref<1x128x128xf32, #tpu.memory_space<vmem>> -> memref<128x128xf32, #tpu.memory_space<vmem>>
    %dma_start3A_722 = arith.constant 1920 : i32
    %dma_start3A_723 = tpu.memref_slice %arg5[%dma_start3A_722] : memref<3328xi32, #tpu.memory_space<vmem>> -> memref<128xi32, #tpu.memory_space<vmem>>
    %dma_start3A_724 = arith.constant 0 : i32
    %dma_start3A_725 = arith.constant 0 : i32
    %dma_start3A_726 = tpu.memref_slice %arg3[%dma_start3A_724, %dma_start3A_725] : memref<2600000x128xf32, #tpu.memory_space<hbm>> -> memref<2600000x128xf32, #tpu.memory_space<hbm>>
    tpu.enqueue_indirect_dma source(%dma_start3A_726 : memref<2600000x128xf32, #tpu.memory_space<hbm>>) target(%dma_start3A_721 : memref<128x128xf32, #tpu.memory_space<vmem>>) offsets(%dma_start3A_723 : memref<128xi32, #tpu.memory_space<vmem>>) semaphore(%arg8 : memref<!tpu.dma_semaphore, #tpu.memory_space<semaphore_mem>>)
    %dma_wait3A_727 = arith.constant 0 : i32
    %dma_wait3A_728 = arith.constant 0 : i32
    %dma_wait3A_729 = arith.constant 0 : i32
    %dma_wait3A_730 = tpu.memref_slice %arg6[%dma_wait3A_727, %dma_wait3A_728, %dma_wait3A_729] : memref<2x128x128xf32, #tpu.memory_space<vmem>> -> memref<1x128x128xf32, #tpu.memory_space<vmem>>
    %dma_wait3A_731 = tpu.memref_squeeze %dma_wait3A_730 : memref<1x128x128xf32, #tpu.memory_space<vmem>> -> memref<128x128xf32, #tpu.memory_space<vmem>>
    %dma_wait3A_732 = arith.constant 1792 : i32
    %dma_wait3A_733 = tpu.memref_slice %arg5[%dma_wait3A_732] : memref<3328xi32, #tpu.memory_space<vmem>> -> memref<128xi32, #tpu.memory_space<vmem>>
    %dma_wait3A_734 = arith.constant 0 : i32
    %dma_wait3A_735 = arith.constant 0 : i32
    %dma_wait3A_736 = tpu.memref_slice %arg3[%dma_wait3A_734, %dma_wait3A_735] : memref<2600000x128xf32, #tpu.memory_space<hbm>> -> memref<2600000x128xf32, #tpu.memory_space<hbm>>
    tpu.wait_indirect_dma semaphore(%arg7 : memref<!tpu.dma_semaphore, #tpu.memory_space<semaphore_mem>>) src(%dma_wait3A_736 : memref<2600000x128xf32, #tpu.memory_space<hbm>>) dst(%dma_wait3A_731 : memref<128x128xf32, #tpu.memory_space<vmem>>)
    %add3A_737 = arith.constant 1792 : i32
    %add3A_738 = arith.addi %mul3A_2, %add3A_737 : i32
    %dma_start3A_739 = arith.constant 0 : i32
    %dma_start3A_740 = arith.constant 0 : i32
    %dma_start3A_741 = arith.constant 0 : i32
    %dma_start3A_742 = tpu.memref_slice %arg6[%dma_start3A_739, %dma_start3A_740, %dma_start3A_741] : memref<2x128x128xf32, #tpu.memory_space<vmem>> -> memref<1x128x128xf32, #tpu.memory_space<vmem>>
    %dma_start3A_743 = tpu.memref_squeeze %dma_start3A_742 : memref<1x128x128xf32, #tpu.memory_space<vmem>> -> memref<128x128xf32, #tpu.memory_space<vmem>>
    %dma_start3A_744 = arith.constant 0 : i32
    %dma_start3A_745 = tpu.memref_slice %arg4[%add3A_738, %dma_start3A_744] : memref<106496x128xf32, #tpu.memory_space<hbm>> -> memref<128x128xf32, #tpu.memory_space<hbm>>
    %dma_start3A_746 = arith.constant 0 : i32
    %dma_start3A_747 = tpu.memref_slice %arg4[%add3A_738, %dma_start3A_746] : memref<106496x128xf32, #tpu.memory_space<hbm>> -> memref<128x128xf32, #tpu.memory_space<hbm>>
    %dma_start3A_748 = arith.constant 0 : i32
    %dma_start3A_749 = arith.constant 0 : i32
    %dma_start3A_750 = tpu.memref_slice %arg6[%dma_start3A_739, %dma_start3A_748, %dma_start3A_749] : memref<2x128x128xf32, #tpu.memory_space<vmem>> -> memref<1x128x128xf32, #tpu.memory_space<vmem>>
    %dma_start3A_751 = tpu.memref_squeeze %dma_start3A_750 : memref<1x128x128xf32, #tpu.memory_space<vmem>> -> memref<128x128xf32, #tpu.memory_space<vmem>>
    tpu.enqueue_dma source(%dma_start3A_751 : memref<128x128xf32, #tpu.memory_space<vmem>>) target(%dma_start3A_747 : memref<128x128xf32, #tpu.memory_space<hbm>>) target_semaphore(%arg9 : memref<!tpu.dma_semaphore, #tpu.memory_space<semaphore_mem>>)
    %add3A_752 = arith.constant 1792 : i32
    %add3A_753 = arith.addi %mul3A_2, %add3A_752 : i32
    %dma_wait3A_754 = arith.constant 0 : i32
    %dma_wait3A_755 = arith.constant 0 : i32
    %dma_wait3A_756 = arith.constant 0 : i32
    %dma_wait3A_757 = tpu.memref_slice %arg6[%dma_wait3A_754, %dma_wait3A_755, %dma_wait3A_756] : memref<2x128x128xf32, #tpu.memory_space<vmem>> -> memref<1x128x128xf32, #tpu.memory_space<vmem>>
    %dma_wait3A_758 = tpu.memref_squeeze %dma_wait3A_757 : memref<1x128x128xf32, #tpu.memory_space<vmem>> -> memref<128x128xf32, #tpu.memory_space<vmem>>
    %dma_wait3A_759 = arith.constant 0 : i32
    %dma_wait3A_760 = tpu.memref_slice %arg4[%add3A_753, %dma_wait3A_759] : memref<106496x128xf32, #tpu.memory_space<hbm>> -> memref<128x128xf32, #tpu.memory_space<hbm>>
    %dma_wait3A_761 = arith.constant 0 : i32
    %dma_wait3A_762 = tpu.memref_slice %arg4[%add3A_753, %dma_wait3A_761] : memref<106496x128xf32, #tpu.memory_space<hbm>> -> memref<128x128xf32, #tpu.memory_space<hbm>>
    %dma_wait3A_763 = arith.constant 0 : i32
    %dma_wait3A_764 = arith.constant 0 : i32
    %dma_wait3A_765 = tpu.memref_slice %arg6[%dma_wait3A_754, %dma_wait3A_763, %dma_wait3A_764] : memref<2x128x128xf32, #tpu.memory_space<vmem>> -> memref<1x128x128xf32, #tpu.memory_space<vmem>>
    %dma_wait3A_766 = tpu.memref_squeeze %dma_wait3A_765 : memref<1x128x128xf32, #tpu.memory_space<vmem>> -> memref<128x128xf32, #tpu.memory_space<vmem>>
    tpu.wait_dma2 semaphore(%arg9 : memref<!tpu.dma_semaphore, #tpu.memory_space<semaphore_mem>>) src(%dma_wait3A_766 : memref<128x128xf32, #tpu.memory_space<vmem>>) dst(%dma_wait3A_762 : memref<128x128xf32, #tpu.memory_space<hbm>>)
    %dma_start3A_767 = arith.constant 0 : i32
    %dma_start3A_768 = arith.constant 0 : i32
    %dma_start3A_769 = arith.constant 0 : i32
    %dma_start3A_770 = tpu.memref_slice %arg6[%dma_start3A_767, %dma_start3A_768, %dma_start3A_769] : memref<2x128x128xf32, #tpu.memory_space<vmem>> -> memref<1x128x128xf32, #tpu.memory_space<vmem>>
    %dma_start3A_771 = tpu.memref_squeeze %dma_start3A_770 : memref<1x128x128xf32, #tpu.memory_space<vmem>> -> memref<128x128xf32, #tpu.memory_space<vmem>>
    %dma_start3A_772 = arith.constant 2048 : i32
    %dma_start3A_773 = tpu.memref_slice %arg5[%dma_start3A_772] : memref<3328xi32, #tpu.memory_space<vmem>> -> memref<128xi32, #tpu.memory_space<vmem>>
    %dma_start3A_774 = arith.constant 0 : i32
    %dma_start3A_775 = arith.constant 0 : i32
    %dma_start3A_776 = tpu.memref_slice %arg3[%dma_start3A_774, %dma_start3A_775] : memref<2600000x128xf32, #tpu.memory_space<hbm>> -> memref<2600000x128xf32, #tpu.memory_space<hbm>>
    tpu.enqueue_indirect_dma source(%dma_start3A_776 : memref<2600000x128xf32, #tpu.memory_space<hbm>>) target(%dma_start3A_771 : memref<128x128xf32, #tpu.memory_space<vmem>>) offsets(%dma_start3A_773 : memref<128xi32, #tpu.memory_space<vmem>>) semaphore(%arg7 : memref<!tpu.dma_semaphore, #tpu.memory_space<semaphore_mem>>)
    %dma_wait3A_777 = arith.constant 1 : i32
    %dma_wait3A_778 = arith.constant 0 : i32
    %dma_wait3A_779 = arith.constant 0 : i32
    %dma_wait3A_780 = tpu.memref_slice %arg6[%dma_wait3A_777, %dma_wait3A_778, %dma_wait3A_779] : memref<2x128x128xf32, #tpu.memory_space<vmem>> -> memref<1x128x128xf32, #tpu.memory_space<vmem>>
    %dma_wait3A_781 = tpu.memref_squeeze %dma_wait3A_780 : memref<1x128x128xf32, #tpu.memory_space<vmem>> -> memref<128x128xf32, #tpu.memory_space<vmem>>
    %dma_wait3A_782 = arith.constant 1920 : i32
    %dma_wait3A_783 = tpu.memref_slice %arg5[%dma_wait3A_782] : memref<3328xi32, #tpu.memory_space<vmem>> -> memref<128xi32, #tpu.memory_space<vmem>>
    %dma_wait3A_784 = arith.constant 0 : i32
    %dma_wait3A_785 = arith.constant 0 : i32
    %dma_wait3A_786 = tpu.memref_slice %arg3[%dma_wait3A_784, %dma_wait3A_785] : memref<2600000x128xf32, #tpu.memory_space<hbm>> -> memref<2600000x128xf32, #tpu.memory_space<hbm>>
    tpu.wait_indirect_dma semaphore(%arg8 : memref<!tpu.dma_semaphore, #tpu.memory_space<semaphore_mem>>) src(%dma_wait3A_786 : memref<2600000x128xf32, #tpu.memory_space<hbm>>) dst(%dma_wait3A_781 : memref<128x128xf32, #tpu.memory_space<vmem>>)
    %add3A_787 = arith.constant 1920 : i32
    %add3A_788 = arith.addi %mul3A_2, %add3A_787 : i32
    %dma_start3A_789 = arith.constant 1 : i32
    %dma_start3A_790 = arith.constant 0 : i32
    %dma_start3A_791 = arith.constant 0 : i32
    %dma_start3A_792 = tpu.memref_slice %arg6[%dma_start3A_789, %dma_start3A_790, %dma_start3A_791] : memref<2x128x128xf32, #tpu.memory_space<vmem>> -> memref<1x128x128xf32, #tpu.memory_space<vmem>>
    %dma_start3A_793 = tpu.memref_squeeze %dma_start3A_792 : memref<1x128x128xf32, #tpu.memory_space<vmem>> -> memref<128x128xf32, #tpu.memory_space<vmem>>
    %dma_start3A_794 = arith.constant 0 : i32
    %dma_start3A_795 = tpu.memref_slice %arg4[%add3A_788, %dma_start3A_794] : memref<106496x128xf32, #tpu.memory_space<hbm>> -> memref<128x128xf32, #tpu.memory_space<hbm>>
    %dma_start3A_796 = arith.constant 0 : i32
    %dma_start3A_797 = tpu.memref_slice %arg4[%add3A_788, %dma_start3A_796] : memref<106496x128xf32, #tpu.memory_space<hbm>> -> memref<128x128xf32, #tpu.memory_space<hbm>>
    %dma_start3A_798 = arith.constant 0 : i32
    %dma_start3A_799 = arith.constant 0 : i32
    %dma_start3A_800 = tpu.memref_slice %arg6[%dma_start3A_789, %dma_start3A_798, %dma_start3A_799] : memref<2x128x128xf32, #tpu.memory_space<vmem>> -> memref<1x128x128xf32, #tpu.memory_space<vmem>>
    %dma_start3A_801 = tpu.memref_squeeze %dma_start3A_800 : memref<1x128x128xf32, #tpu.memory_space<vmem>> -> memref<128x128xf32, #tpu.memory_space<vmem>>
    tpu.enqueue_dma source(%dma_start3A_801 : memref<128x128xf32, #tpu.memory_space<vmem>>) target(%dma_start3A_797 : memref<128x128xf32, #tpu.memory_space<hbm>>) target_semaphore(%arg10 : memref<!tpu.dma_semaphore, #tpu.memory_space<semaphore_mem>>)
    %add3A_802 = arith.constant 1920 : i32
    %add3A_803 = arith.addi %mul3A_2, %add3A_802 : i32
    %dma_wait3A_804 = arith.constant 1 : i32
    %dma_wait3A_805 = arith.constant 0 : i32
    %dma_wait3A_806 = arith.constant 0 : i32
    %dma_wait3A_807 = tpu.memref_slice %arg6[%dma_wait3A_804, %dma_wait3A_805, %dma_wait3A_806] : memref<2x128x128xf32, #tpu.memory_space<vmem>> -> memref<1x128x128xf32, #tpu.memory_space<vmem>>
    %dma_wait3A_808 = tpu.memref_squeeze %dma_wait3A_807 : memref<1x128x128xf32, #tpu.memory_space<vmem>> -> memref<128x128xf32, #tpu.memory_space<vmem>>
    %dma_wait3A_809 = arith.constant 0 : i32
    %dma_wait3A_810 = tpu.memref_slice %arg4[%add3A_803, %dma_wait3A_809] : memref<106496x128xf32, #tpu.memory_space<hbm>> -> memref<128x128xf32, #tpu.memory_space<hbm>>
    %dma_wait3A_811 = arith.constant 0 : i32
    %dma_wait3A_812 = tpu.memref_slice %arg4[%add3A_803, %dma_wait3A_811] : memref<106496x128xf32, #tpu.memory_space<hbm>> -> memref<128x128xf32, #tpu.memory_space<hbm>>
    %dma_wait3A_813 = arith.constant 0 : i32
    %dma_wait3A_814 = arith.constant 0 : i32
    %dma_wait3A_815 = tpu.memref_slice %arg6[%dma_wait3A_804, %dma_wait3A_813, %dma_wait3A_814] : memref<2x128x128xf32, #tpu.memory_space<vmem>> -> memref<1x128x128xf32, #tpu.memory_space<vmem>>
    %dma_wait3A_816 = tpu.memref_squeeze %dma_wait3A_815 : memref<1x128x128xf32, #tpu.memory_space<vmem>> -> memref<128x128xf32, #tpu.memory_space<vmem>>
    tpu.wait_dma2 semaphore(%arg10 : memref<!tpu.dma_semaphore, #tpu.memory_space<semaphore_mem>>) src(%dma_wait3A_816 : memref<128x128xf32, #tpu.memory_space<vmem>>) dst(%dma_wait3A_812 : memref<128x128xf32, #tpu.memory_space<hbm>>)
    %dma_start3A_817 = arith.constant 1 : i32
    %dma_start3A_818 = arith.constant 0 : i32
    %dma_start3A_819 = arith.constant 0 : i32
    %dma_start3A_820 = tpu.memref_slice %arg6[%dma_start3A_817, %dma_start3A_818, %dma_start3A_819] : memref<2x128x128xf32, #tpu.memory_space<vmem>> -> memref<1x128x128xf32, #tpu.memory_space<vmem>>
    %dma_start3A_821 = tpu.memref_squeeze %dma_start3A_820 : memref<1x128x128xf32, #tpu.memory_space<vmem>> -> memref<128x128xf32, #tpu.memory_space<vmem>>
    %dma_start3A_822 = arith.constant 2176 : i32
    %dma_start3A_823 = tpu.memref_slice %arg5[%dma_start3A_822] : memref<3328xi32, #tpu.memory_space<vmem>> -> memref<128xi32, #tpu.memory_space<vmem>>
    %dma_start3A_824 = arith.constant 0 : i32
    %dma_start3A_825 = arith.constant 0 : i32
    %dma_start3A_826 = tpu.memref_slice %arg3[%dma_start3A_824, %dma_start3A_825] : memref<2600000x128xf32, #tpu.memory_space<hbm>> -> memref<2600000x128xf32, #tpu.memory_space<hbm>>
    tpu.enqueue_indirect_dma source(%dma_start3A_826 : memref<2600000x128xf32, #tpu.memory_space<hbm>>) target(%dma_start3A_821 : memref<128x128xf32, #tpu.memory_space<vmem>>) offsets(%dma_start3A_823 : memref<128xi32, #tpu.memory_space<vmem>>) semaphore(%arg8 : memref<!tpu.dma_semaphore, #tpu.memory_space<semaphore_mem>>)
    %dma_wait3A_827 = arith.constant 0 : i32
    %dma_wait3A_828 = arith.constant 0 : i32
    %dma_wait3A_829 = arith.constant 0 : i32
    %dma_wait3A_830 = tpu.memref_slice %arg6[%dma_wait3A_827, %dma_wait3A_828, %dma_wait3A_829] : memref<2x128x128xf32, #tpu.memory_space<vmem>> -> memref<1x128x128xf32, #tpu.memory_space<vmem>>
    %dma_wait3A_831 = tpu.memref_squeeze %dma_wait3A_830 : memref<1x128x128xf32, #tpu.memory_space<vmem>> -> memref<128x128xf32, #tpu.memory_space<vmem>>
    %dma_wait3A_832 = arith.constant 2048 : i32
    %dma_wait3A_833 = tpu.memref_slice %arg5[%dma_wait3A_832] : memref<3328xi32, #tpu.memory_space<vmem>> -> memref<128xi32, #tpu.memory_space<vmem>>
    %dma_wait3A_834 = arith.constant 0 : i32
    %dma_wait3A_835 = arith.constant 0 : i32
    %dma_wait3A_836 = tpu.memref_slice %arg3[%dma_wait3A_834, %dma_wait3A_835] : memref<2600000x128xf32, #tpu.memory_space<hbm>> -> memref<2600000x128xf32, #tpu.memory_space<hbm>>
    tpu.wait_indirect_dma semaphore(%arg7 : memref<!tpu.dma_semaphore, #tpu.memory_space<semaphore_mem>>) src(%dma_wait3A_836 : memref<2600000x128xf32, #tpu.memory_space<hbm>>) dst(%dma_wait3A_831 : memref<128x128xf32, #tpu.memory_space<vmem>>)
    %add3A_837 = arith.constant 2048 : i32
    %add3A_838 = arith.addi %mul3A_2, %add3A_837 : i32
    %dma_start3A_839 = arith.constant 0 : i32
    %dma_start3A_840 = arith.constant 0 : i32
    %dma_start3A_841 = arith.constant 0 : i32
    %dma_start3A_842 = tpu.memref_slice %arg6[%dma_start3A_839, %dma_start3A_840, %dma_start3A_841] : memref<2x128x128xf32, #tpu.memory_space<vmem>> -> memref<1x128x128xf32, #tpu.memory_space<vmem>>
    %dma_start3A_843 = tpu.memref_squeeze %dma_start3A_842 : memref<1x128x128xf32, #tpu.memory_space<vmem>> -> memref<128x128xf32, #tpu.memory_space<vmem>>
    %dma_start3A_844 = arith.constant 0 : i32
    %dma_start3A_845 = tpu.memref_slice %arg4[%add3A_838, %dma_start3A_844] : memref<106496x128xf32, #tpu.memory_space<hbm>> -> memref<128x128xf32, #tpu.memory_space<hbm>>
    %dma_start3A_846 = arith.constant 0 : i32
    %dma_start3A_847 = tpu.memref_slice %arg4[%add3A_838, %dma_start3A_846] : memref<106496x128xf32, #tpu.memory_space<hbm>> -> memref<128x128xf32, #tpu.memory_space<hbm>>
    %dma_start3A_848 = arith.constant 0 : i32
    %dma_start3A_849 = arith.constant 0 : i32
    %dma_start3A_850 = tpu.memref_slice %arg6[%dma_start3A_839, %dma_start3A_848, %dma_start3A_849] : memref<2x128x128xf32, #tpu.memory_space<vmem>> -> memref<1x128x128xf32, #tpu.memory_space<vmem>>
    %dma_start3A_851 = tpu.memref_squeeze %dma_start3A_850 : memref<1x128x128xf32, #tpu.memory_space<vmem>> -> memref<128x128xf32, #tpu.memory_space<vmem>>
    tpu.enqueue_dma source(%dma_start3A_851 : memref<128x128xf32, #tpu.memory_space<vmem>>) target(%dma_start3A_847 : memref<128x128xf32, #tpu.memory_space<hbm>>) target_semaphore(%arg9 : memref<!tpu.dma_semaphore, #tpu.memory_space<semaphore_mem>>)
    %add3A_852 = arith.constant 2048 : i32
    %add3A_853 = arith.addi %mul3A_2, %add3A_852 : i32
    %dma_wait3A_854 = arith.constant 0 : i32
    %dma_wait3A_855 = arith.constant 0 : i32
    %dma_wait3A_856 = arith.constant 0 : i32
    %dma_wait3A_857 = tpu.memref_slice %arg6[%dma_wait3A_854, %dma_wait3A_855, %dma_wait3A_856] : memref<2x128x128xf32, #tpu.memory_space<vmem>> -> memref<1x128x128xf32, #tpu.memory_space<vmem>>
    %dma_wait3A_858 = tpu.memref_squeeze %dma_wait3A_857 : memref<1x128x128xf32, #tpu.memory_space<vmem>> -> memref<128x128xf32, #tpu.memory_space<vmem>>
    %dma_wait3A_859 = arith.constant 0 : i32
    %dma_wait3A_860 = tpu.memref_slice %arg4[%add3A_853, %dma_wait3A_859] : memref<106496x128xf32, #tpu.memory_space<hbm>> -> memref<128x128xf32, #tpu.memory_space<hbm>>
    %dma_wait3A_861 = arith.constant 0 : i32
    %dma_wait3A_862 = tpu.memref_slice %arg4[%add3A_853, %dma_wait3A_861] : memref<106496x128xf32, #tpu.memory_space<hbm>> -> memref<128x128xf32, #tpu.memory_space<hbm>>
    %dma_wait3A_863 = arith.constant 0 : i32
    %dma_wait3A_864 = arith.constant 0 : i32
    %dma_wait3A_865 = tpu.memref_slice %arg6[%dma_wait3A_854, %dma_wait3A_863, %dma_wait3A_864] : memref<2x128x128xf32, #tpu.memory_space<vmem>> -> memref<1x128x128xf32, #tpu.memory_space<vmem>>
    %dma_wait3A_866 = tpu.memref_squeeze %dma_wait3A_865 : memref<1x128x128xf32, #tpu.memory_space<vmem>> -> memref<128x128xf32, #tpu.memory_space<vmem>>
    tpu.wait_dma2 semaphore(%arg9 : memref<!tpu.dma_semaphore, #tpu.memory_space<semaphore_mem>>) src(%dma_wait3A_866 : memref<128x128xf32, #tpu.memory_space<vmem>>) dst(%dma_wait3A_862 : memref<128x128xf32, #tpu.memory_space<hbm>>)
    %dma_start3A_867 = arith.constant 0 : i32
    %dma_start3A_868 = arith.constant 0 : i32
    %dma_start3A_869 = arith.constant 0 : i32
    %dma_start3A_870 = tpu.memref_slice %arg6[%dma_start3A_867, %dma_start3A_868, %dma_start3A_869] : memref<2x128x128xf32, #tpu.memory_space<vmem>> -> memref<1x128x128xf32, #tpu.memory_space<vmem>>
    %dma_start3A_871 = tpu.memref_squeeze %dma_start3A_870 : memref<1x128x128xf32, #tpu.memory_space<vmem>> -> memref<128x128xf32, #tpu.memory_space<vmem>>
    %dma_start3A_872 = arith.constant 2304 : i32
    %dma_start3A_873 = tpu.memref_slice %arg5[%dma_start3A_872] : memref<3328xi32, #tpu.memory_space<vmem>> -> memref<128xi32, #tpu.memory_space<vmem>>
    %dma_start3A_874 = arith.constant 0 : i32
    %dma_start3A_875 = arith.constant 0 : i32
    %dma_start3A_876 = tpu.memref_slice %arg3[%dma_start3A_874, %dma_start3A_875] : memref<2600000x128xf32, #tpu.memory_space<hbm>> -> memref<2600000x128xf32, #tpu.memory_space<hbm>>
    tpu.enqueue_indirect_dma source(%dma_start3A_876 : memref<2600000x128xf32, #tpu.memory_space<hbm>>) target(%dma_start3A_871 : memref<128x128xf32, #tpu.memory_space<vmem>>) offsets(%dma_start3A_873 : memref<128xi32, #tpu.memory_space<vmem>>) semaphore(%arg7 : memref<!tpu.dma_semaphore, #tpu.memory_space<semaphore_mem>>)
    %dma_wait3A_877 = arith.constant 1 : i32
    %dma_wait3A_878 = arith.constant 0 : i32
    %dma_wait3A_879 = arith.constant 0 : i32
    %dma_wait3A_880 = tpu.memref_slice %arg6[%dma_wait3A_877, %dma_wait3A_878, %dma_wait3A_879] : memref<2x128x128xf32, #tpu.memory_space<vmem>> -> memref<1x128x128xf32, #tpu.memory_space<vmem>>
    %dma_wait3A_881 = tpu.memref_squeeze %dma_wait3A_880 : memref<1x128x128xf32, #tpu.memory_space<vmem>> -> memref<128x128xf32, #tpu.memory_space<vmem>>
    %dma_wait3A_882 = arith.constant 2176 : i32
    %dma_wait3A_883 = tpu.memref_slice %arg5[%dma_wait3A_882] : memref<3328xi32, #tpu.memory_space<vmem>> -> memref<128xi32, #tpu.memory_space<vmem>>
    %dma_wait3A_884 = arith.constant 0 : i32
    %dma_wait3A_885 = arith.constant 0 : i32
    %dma_wait3A_886 = tpu.memref_slice %arg3[%dma_wait3A_884, %dma_wait3A_885] : memref<2600000x128xf32, #tpu.memory_space<hbm>> -> memref<2600000x128xf32, #tpu.memory_space<hbm>>
    tpu.wait_indirect_dma semaphore(%arg8 : memref<!tpu.dma_semaphore, #tpu.memory_space<semaphore_mem>>) src(%dma_wait3A_886 : memref<2600000x128xf32, #tpu.memory_space<hbm>>) dst(%dma_wait3A_881 : memref<128x128xf32, #tpu.memory_space<vmem>>)
    %add3A_887 = arith.constant 2176 : i32
    %add3A_888 = arith.addi %mul3A_2, %add3A_887 : i32
    %dma_start3A_889 = arith.constant 1 : i32
    %dma_start3A_890 = arith.constant 0 : i32
    %dma_start3A_891 = arith.constant 0 : i32
    %dma_start3A_892 = tpu.memref_slice %arg6[%dma_start3A_889, %dma_start3A_890, %dma_start3A_891] : memref<2x128x128xf32, #tpu.memory_space<vmem>> -> memref<1x128x128xf32, #tpu.memory_space<vmem>>
    %dma_start3A_893 = tpu.memref_squeeze %dma_start3A_892 : memref<1x128x128xf32, #tpu.memory_space<vmem>> -> memref<128x128xf32, #tpu.memory_space<vmem>>
    %dma_start3A_894 = arith.constant 0 : i32
    %dma_start3A_895 = tpu.memref_slice %arg4[%add3A_888, %dma_start3A_894] : memref<106496x128xf32, #tpu.memory_space<hbm>> -> memref<128x128xf32, #tpu.memory_space<hbm>>
    %dma_start3A_896 = arith.constant 0 : i32
    %dma_start3A_897 = tpu.memref_slice %arg4[%add3A_888, %dma_start3A_896] : memref<106496x128xf32, #tpu.memory_space<hbm>> -> memref<128x128xf32, #tpu.memory_space<hbm>>
    %dma_start3A_898 = arith.constant 0 : i32
    %dma_start3A_899 = arith.constant 0 : i32
    %dma_start3A_900 = tpu.memref_slice %arg6[%dma_start3A_889, %dma_start3A_898, %dma_start3A_899] : memref<2x128x128xf32, #tpu.memory_space<vmem>> -> memref<1x128x128xf32, #tpu.memory_space<vmem>>
    %dma_start3A_901 = tpu.memref_squeeze %dma_start3A_900 : memref<1x128x128xf32, #tpu.memory_space<vmem>> -> memref<128x128xf32, #tpu.memory_space<vmem>>
    tpu.enqueue_dma source(%dma_start3A_901 : memref<128x128xf32, #tpu.memory_space<vmem>>) target(%dma_start3A_897 : memref<128x128xf32, #tpu.memory_space<hbm>>) target_semaphore(%arg10 : memref<!tpu.dma_semaphore, #tpu.memory_space<semaphore_mem>>)
    %add3A_902 = arith.constant 2176 : i32
    %add3A_903 = arith.addi %mul3A_2, %add3A_902 : i32
    %dma_wait3A_904 = arith.constant 1 : i32
    %dma_wait3A_905 = arith.constant 0 : i32
    %dma_wait3A_906 = arith.constant 0 : i32
    %dma_wait3A_907 = tpu.memref_slice %arg6[%dma_wait3A_904, %dma_wait3A_905, %dma_wait3A_906] : memref<2x128x128xf32, #tpu.memory_space<vmem>> -> memref<1x128x128xf32, #tpu.memory_space<vmem>>
    %dma_wait3A_908 = tpu.memref_squeeze %dma_wait3A_907 : memref<1x128x128xf32, #tpu.memory_space<vmem>> -> memref<128x128xf32, #tpu.memory_space<vmem>>
    %dma_wait3A_909 = arith.constant 0 : i32
    %dma_wait3A_910 = tpu.memref_slice %arg4[%add3A_903, %dma_wait3A_909] : memref<106496x128xf32, #tpu.memory_space<hbm>> -> memref<128x128xf32, #tpu.memory_space<hbm>>
    %dma_wait3A_911 = arith.constant 0 : i32
    %dma_wait3A_912 = tpu.memref_slice %arg4[%add3A_903, %dma_wait3A_911] : memref<106496x128xf32, #tpu.memory_space<hbm>> -> memref<128x128xf32, #tpu.memory_space<hbm>>
    %dma_wait3A_913 = arith.constant 0 : i32
    %dma_wait3A_914 = arith.constant 0 : i32
    %dma_wait3A_915 = tpu.memref_slice %arg6[%dma_wait3A_904, %dma_wait3A_913, %dma_wait3A_914] : memref<2x128x128xf32, #tpu.memory_space<vmem>> -> memref<1x128x128xf32, #tpu.memory_space<vmem>>
    %dma_wait3A_916 = tpu.memref_squeeze %dma_wait3A_915 : memref<1x128x128xf32, #tpu.memory_space<vmem>> -> memref<128x128xf32, #tpu.memory_space<vmem>>
    tpu.wait_dma2 semaphore(%arg10 : memref<!tpu.dma_semaphore, #tpu.memory_space<semaphore_mem>>) src(%dma_wait3A_916 : memref<128x128xf32, #tpu.memory_space<vmem>>) dst(%dma_wait3A_912 : memref<128x128xf32, #tpu.memory_space<hbm>>)
    %dma_start3A_917 = arith.constant 1 : i32
    %dma_start3A_918 = arith.constant 0 : i32
    %dma_start3A_919 = arith.constant 0 : i32
    %dma_start3A_920 = tpu.memref_slice %arg6[%dma_start3A_917, %dma_start3A_918, %dma_start3A_919] : memref<2x128x128xf32, #tpu.memory_space<vmem>> -> memref<1x128x128xf32, #tpu.memory_space<vmem>>
    %dma_start3A_921 = tpu.memref_squeeze %dma_start3A_920 : memref<1x128x128xf32, #tpu.memory_space<vmem>> -> memref<128x128xf32, #tpu.memory_space<vmem>>
    %dma_start3A_922 = arith.constant 2432 : i32
    %dma_start3A_923 = tpu.memref_slice %arg5[%dma_start3A_922] : memref<3328xi32, #tpu.memory_space<vmem>> -> memref<128xi32, #tpu.memory_space<vmem>>
    %dma_start3A_924 = arith.constant 0 : i32
    %dma_start3A_925 = arith.constant 0 : i32
    %dma_start3A_926 = tpu.memref_slice %arg3[%dma_start3A_924, %dma_start3A_925] : memref<2600000x128xf32, #tpu.memory_space<hbm>> -> memref<2600000x128xf32, #tpu.memory_space<hbm>>
    tpu.enqueue_indirect_dma source(%dma_start3A_926 : memref<2600000x128xf32, #tpu.memory_space<hbm>>) target(%dma_start3A_921 : memref<128x128xf32, #tpu.memory_space<vmem>>) offsets(%dma_start3A_923 : memref<128xi32, #tpu.memory_space<vmem>>) semaphore(%arg8 : memref<!tpu.dma_semaphore, #tpu.memory_space<semaphore_mem>>)
    %dma_wait3A_927 = arith.constant 0 : i32
    %dma_wait3A_928 = arith.constant 0 : i32
    %dma_wait3A_929 = arith.constant 0 : i32
    %dma_wait3A_930 = tpu.memref_slice %arg6[%dma_wait3A_927, %dma_wait3A_928, %dma_wait3A_929] : memref<2x128x128xf32, #tpu.memory_space<vmem>> -> memref<1x128x128xf32, #tpu.memory_space<vmem>>
    %dma_wait3A_931 = tpu.memref_squeeze %dma_wait3A_930 : memref<1x128x128xf32, #tpu.memory_space<vmem>> -> memref<128x128xf32, #tpu.memory_space<vmem>>
    %dma_wait3A_932 = arith.constant 2304 : i32
    %dma_wait3A_933 = tpu.memref_slice %arg5[%dma_wait3A_932] : memref<3328xi32, #tpu.memory_space<vmem>> -> memref<128xi32, #tpu.memory_space<vmem>>
    %dma_wait3A_934 = arith.constant 0 : i32
    %dma_wait3A_935 = arith.constant 0 : i32
    %dma_wait3A_936 = tpu.memref_slice %arg3[%dma_wait3A_934, %dma_wait3A_935] : memref<2600000x128xf32, #tpu.memory_space<hbm>> -> memref<2600000x128xf32, #tpu.memory_space<hbm>>
    tpu.wait_indirect_dma semaphore(%arg7 : memref<!tpu.dma_semaphore, #tpu.memory_space<semaphore_mem>>) src(%dma_wait3A_936 : memref<2600000x128xf32, #tpu.memory_space<hbm>>) dst(%dma_wait3A_931 : memref<128x128xf32, #tpu.memory_space<vmem>>)
    %add3A_937 = arith.constant 2304 : i32
    %add3A_938 = arith.addi %mul3A_2, %add3A_937 : i32
    %dma_start3A_939 = arith.constant 0 : i32
    %dma_start3A_940 = arith.constant 0 : i32
    %dma_start3A_941 = arith.constant 0 : i32
    %dma_start3A_942 = tpu.memref_slice %arg6[%dma_start3A_939, %dma_start3A_940, %dma_start3A_941] : memref<2x128x128xf32, #tpu.memory_space<vmem>> -> memref<1x128x128xf32, #tpu.memory_space<vmem>>
    %dma_start3A_943 = tpu.memref_squeeze %dma_start3A_942 : memref<1x128x128xf32, #tpu.memory_space<vmem>> -> memref<128x128xf32, #tpu.memory_space<vmem>>
    %dma_start3A_944 = arith.constant 0 : i32
    %dma_start3A_945 = tpu.memref_slice %arg4[%add3A_938, %dma_start3A_944] : memref<106496x128xf32, #tpu.memory_space<hbm>> -> memref<128x128xf32, #tpu.memory_space<hbm>>
    %dma_start3A_946 = arith.constant 0 : i32
    %dma_start3A_947 = tpu.memref_slice %arg4[%add3A_938, %dma_start3A_946] : memref<106496x128xf32, #tpu.memory_space<hbm>> -> memref<128x128xf32, #tpu.memory_space<hbm>>
    %dma_start3A_948 = arith.constant 0 : i32
    %dma_start3A_949 = arith.constant 0 : i32
    %dma_start3A_950 = tpu.memref_slice %arg6[%dma_start3A_939, %dma_start3A_948, %dma_start3A_949] : memref<2x128x128xf32, #tpu.memory_space<vmem>> -> memref<1x128x128xf32, #tpu.memory_space<vmem>>
    %dma_start3A_951 = tpu.memref_squeeze %dma_start3A_950 : memref<1x128x128xf32, #tpu.memory_space<vmem>> -> memref<128x128xf32, #tpu.memory_space<vmem>>
    tpu.enqueue_dma source(%dma_start3A_951 : memref<128x128xf32, #tpu.memory_space<vmem>>) target(%dma_start3A_947 : memref<128x128xf32, #tpu.memory_space<hbm>>) target_semaphore(%arg9 : memref<!tpu.dma_semaphore, #tpu.memory_space<semaphore_mem>>)
    %add3A_952 = arith.constant 2304 : i32
    %add3A_953 = arith.addi %mul3A_2, %add3A_952 : i32
    %dma_wait3A_954 = arith.constant 0 : i32
    %dma_wait3A_955 = arith.constant 0 : i32
    %dma_wait3A_956 = arith.constant 0 : i32
    %dma_wait3A_957 = tpu.memref_slice %arg6[%dma_wait3A_954, %dma_wait3A_955, %dma_wait3A_956] : memref<2x128x128xf32, #tpu.memory_space<vmem>> -> memref<1x128x128xf32, #tpu.memory_space<vmem>>
    %dma_wait3A_958 = tpu.memref_squeeze %dma_wait3A_957 : memref<1x128x128xf32, #tpu.memory_space<vmem>> -> memref<128x128xf32, #tpu.memory_space<vmem>>
    %dma_wait3A_959 = arith.constant 0 : i32
    %dma_wait3A_960 = tpu.memref_slice %arg4[%add3A_953, %dma_wait3A_959] : memref<106496x128xf32, #tpu.memory_space<hbm>> -> memref<128x128xf32, #tpu.memory_space<hbm>>
    %dma_wait3A_961 = arith.constant 0 : i32
    %dma_wait3A_962 = tpu.memref_slice %arg4[%add3A_953, %dma_wait3A_961] : memref<106496x128xf32, #tpu.memory_space<hbm>> -> memref<128x128xf32, #tpu.memory_space<hbm>>
    %dma_wait3A_963 = arith.constant 0 : i32
    %dma_wait3A_964 = arith.constant 0 : i32
    %dma_wait3A_965 = tpu.memref_slice %arg6[%dma_wait3A_954, %dma_wait3A_963, %dma_wait3A_964] : memref<2x128x128xf32, #tpu.memory_space<vmem>> -> memref<1x128x128xf32, #tpu.memory_space<vmem>>
    %dma_wait3A_966 = tpu.memref_squeeze %dma_wait3A_965 : memref<1x128x128xf32, #tpu.memory_space<vmem>> -> memref<128x128xf32, #tpu.memory_space<vmem>>
    tpu.wait_dma2 semaphore(%arg9 : memref<!tpu.dma_semaphore, #tpu.memory_space<semaphore_mem>>) src(%dma_wait3A_966 : memref<128x128xf32, #tpu.memory_space<vmem>>) dst(%dma_wait3A_962 : memref<128x128xf32, #tpu.memory_space<hbm>>)
    %dma_start3A_967 = arith.constant 0 : i32
    %dma_start3A_968 = arith.constant 0 : i32
    %dma_start3A_969 = arith.constant 0 : i32
    %dma_start3A_970 = tpu.memref_slice %arg6[%dma_start3A_967, %dma_start3A_968, %dma_start3A_969] : memref<2x128x128xf32, #tpu.memory_space<vmem>> -> memref<1x128x128xf32, #tpu.memory_space<vmem>>
    %dma_start3A_971 = tpu.memref_squeeze %dma_start3A_970 : memref<1x128x128xf32, #tpu.memory_space<vmem>> -> memref<128x128xf32, #tpu.memory_space<vmem>>
    %dma_start3A_972 = arith.constant 2560 : i32
    %dma_start3A_973 = tpu.memref_slice %arg5[%dma_start3A_972] : memref<3328xi32, #tpu.memory_space<vmem>> -> memref<128xi32, #tpu.memory_space<vmem>>
    %dma_start3A_974 = arith.constant 0 : i32
    %dma_start3A_975 = arith.constant 0 : i32
    %dma_start3A_976 = tpu.memref_slice %arg3[%dma_start3A_974, %dma_start3A_975] : memref<2600000x128xf32, #tpu.memory_space<hbm>> -> memref<2600000x128xf32, #tpu.memory_space<hbm>>
    tpu.enqueue_indirect_dma source(%dma_start3A_976 : memref<2600000x128xf32, #tpu.memory_space<hbm>>) target(%dma_start3A_971 : memref<128x128xf32, #tpu.memory_space<vmem>>) offsets(%dma_start3A_973 : memref<128xi32, #tpu.memory_space<vmem>>) semaphore(%arg7 : memref<!tpu.dma_semaphore, #tpu.memory_space<semaphore_mem>>)
    %dma_wait3A_977 = arith.constant 1 : i32
    %dma_wait3A_978 = arith.constant 0 : i32
    %dma_wait3A_979 = arith.constant 0 : i32
    %dma_wait3A_980 = tpu.memref_slice %arg6[%dma_wait3A_977, %dma_wait3A_978, %dma_wait3A_979] : memref<2x128x128xf32, #tpu.memory_space<vmem>> -> memref<1x128x128xf32, #tpu.memory_space<vmem>>
    %dma_wait3A_981 = tpu.memref_squeeze %dma_wait3A_980 : memref<1x128x128xf32, #tpu.memory_space<vmem>> -> memref<128x128xf32, #tpu.memory_space<vmem>>
    %dma_wait3A_982 = arith.constant 2432 : i32
    %dma_wait3A_983 = tpu.memref_slice %arg5[%dma_wait3A_982] : memref<3328xi32, #tpu.memory_space<vmem>> -> memref<128xi32, #tpu.memory_space<vmem>>
    %dma_wait3A_984 = arith.constant 0 : i32
    %dma_wait3A_985 = arith.constant 0 : i32
    %dma_wait3A_986 = tpu.memref_slice %arg3[%dma_wait3A_984, %dma_wait3A_985] : memref<2600000x128xf32, #tpu.memory_space<hbm>> -> memref<2600000x128xf32, #tpu.memory_space<hbm>>
    tpu.wait_indirect_dma semaphore(%arg8 : memref<!tpu.dma_semaphore, #tpu.memory_space<semaphore_mem>>) src(%dma_wait3A_986 : memref<2600000x128xf32, #tpu.memory_space<hbm>>) dst(%dma_wait3A_981 : memref<128x128xf32, #tpu.memory_space<vmem>>)
    %add3A_987 = arith.constant 2432 : i32
    %add3A_988 = arith.addi %mul3A_2, %add3A_987 : i32
    %dma_start3A_989 = arith.constant 1 : i32
    %dma_start3A_990 = arith.constant 0 : i32
    %dma_start3A_991 = arith.constant 0 : i32
    %dma_start3A_992 = tpu.memref_slice %arg6[%dma_start3A_989, %dma_start3A_990, %dma_start3A_991] : memref<2x128x128xf32, #tpu.memory_space<vmem>> -> memref<1x128x128xf32, #tpu.memory_space<vmem>>
    %dma_start3A_993 = tpu.memref_squeeze %dma_start3A_992 : memref<1x128x128xf32, #tpu.memory_space<vmem>> -> memref<128x128xf32, #tpu.memory_space<vmem>>
    %dma_start3A_994 = arith.constant 0 : i32
    %dma_start3A_995 = tpu.memref_slice %arg4[%add3A_988, %dma_start3A_994] : memref<106496x128xf32, #tpu.memory_space<hbm>> -> memref<128x128xf32, #tpu.memory_space<hbm>>
    %dma_start3A_996 = arith.constant 0 : i32
    %dma_start3A_997 = tpu.memref_slice %arg4[%add3A_988, %dma_start3A_996] : memref<106496x128xf32, #tpu.memory_space<hbm>> -> memref<128x128xf32, #tpu.memory_space<hbm>>
    %dma_start3A_998 = arith.constant 0 : i32
    %dma_start3A_999 = arith.constant 0 : i32
    %dma_start3A_1000 = tpu.memref_slice %arg6[%dma_start3A_989, %dma_start3A_998, %dma_start3A_999] : memref<2x128x128xf32, #tpu.memory_space<vmem>> -> memref<1x128x128xf32, #tpu.memory_space<vmem>>
    %dma_start3A_1001 = tpu.memref_squeeze %dma_start3A_1000 : memref<1x128x128xf32, #tpu.memory_space<vmem>> -> memref<128x128xf32, #tpu.memory_space<vmem>>
    tpu.enqueue_dma source(%dma_start3A_1001 : memref<128x128xf32, #tpu.memory_space<vmem>>) target(%dma_start3A_997 : memref<128x128xf32, #tpu.memory_space<hbm>>) target_semaphore(%arg10 : memref<!tpu.dma_semaphore, #tpu.memory_space<semaphore_mem>>)
    %add3A_1002 = arith.constant 2432 : i32
    %add3A_1003 = arith.addi %mul3A_2, %add3A_1002 : i32
    %dma_wait3A_1004 = arith.constant 1 : i32
    %dma_wait3A_1005 = arith.constant 0 : i32
    %dma_wait3A_1006 = arith.constant 0 : i32
    %dma_wait3A_1007 = tpu.memref_slice %arg6[%dma_wait3A_1004, %dma_wait3A_1005, %dma_wait3A_1006] : memref<2x128x128xf32, #tpu.memory_space<vmem>> -> memref<1x128x128xf32, #tpu.memory_space<vmem>>
    %dma_wait3A_1008 = tpu.memref_squeeze %dma_wait3A_1007 : memref<1x128x128xf32, #tpu.memory_space<vmem>> -> memref<128x128xf32, #tpu.memory_space<vmem>>
    %dma_wait3A_1009 = arith.constant 0 : i32
    %dma_wait3A_1010 = tpu.memref_slice %arg4[%add3A_1003, %dma_wait3A_1009] : memref<106496x128xf32, #tpu.memory_space<hbm>> -> memref<128x128xf32, #tpu.memory_space<hbm>>
    %dma_wait3A_1011 = arith.constant 0 : i32
    %dma_wait3A_1012 = tpu.memref_slice %arg4[%add3A_1003, %dma_wait3A_1011] : memref<106496x128xf32, #tpu.memory_space<hbm>> -> memref<128x128xf32, #tpu.memory_space<hbm>>
    %dma_wait3A_1013 = arith.constant 0 : i32
    %dma_wait3A_1014 = arith.constant 0 : i32
    %dma_wait3A_1015 = tpu.memref_slice %arg6[%dma_wait3A_1004, %dma_wait3A_1013, %dma_wait3A_1014] : memref<2x128x128xf32, #tpu.memory_space<vmem>> -> memref<1x128x128xf32, #tpu.memory_space<vmem>>
    %dma_wait3A_1016 = tpu.memref_squeeze %dma_wait3A_1015 : memref<1x128x128xf32, #tpu.memory_space<vmem>> -> memref<128x128xf32, #tpu.memory_space<vmem>>
    tpu.wait_dma2 semaphore(%arg10 : memref<!tpu.dma_semaphore, #tpu.memory_space<semaphore_mem>>) src(%dma_wait3A_1016 : memref<128x128xf32, #tpu.memory_space<vmem>>) dst(%dma_wait3A_1012 : memref<128x128xf32, #tpu.memory_space<hbm>>)
    %dma_start3A_1017 = arith.constant 1 : i32
    %dma_start3A_1018 = arith.constant 0 : i32
    %dma_start3A_1019 = arith.constant 0 : i32
    %dma_start3A_1020 = tpu.memref_slice %arg6[%dma_start3A_1017, %dma_start3A_1018, %dma_start3A_1019] : memref<2x128x128xf32, #tpu.memory_space<vmem>> -> memref<1x128x128xf32, #tpu.memory_space<vmem>>
    %dma_start3A_1021 = tpu.memref_squeeze %dma_start3A_1020 : memref<1x128x128xf32, #tpu.memory_space<vmem>> -> memref<128x128xf32, #tpu.memory_space<vmem>>
    %dma_start3A_1022 = arith.constant 2688 : i32
    %dma_start3A_1023 = tpu.memref_slice %arg5[%dma_start3A_1022] : memref<3328xi32, #tpu.memory_space<vmem>> -> memref<128xi32, #tpu.memory_space<vmem>>
    %dma_start3A_1024 = arith.constant 0 : i32
    %dma_start3A_1025 = arith.constant 0 : i32
    %dma_start3A_1026 = tpu.memref_slice %arg3[%dma_start3A_1024, %dma_start3A_1025] : memref<2600000x128xf32, #tpu.memory_space<hbm>> -> memref<2600000x128xf32, #tpu.memory_space<hbm>>
    tpu.enqueue_indirect_dma source(%dma_start3A_1026 : memref<2600000x128xf32, #tpu.memory_space<hbm>>) target(%dma_start3A_1021 : memref<128x128xf32, #tpu.memory_space<vmem>>) offsets(%dma_start3A_1023 : memref<128xi32, #tpu.memory_space<vmem>>) semaphore(%arg8 : memref<!tpu.dma_semaphore, #tpu.memory_space<semaphore_mem>>)
    %dma_wait3A_1027 = arith.constant 0 : i32
    %dma_wait3A_1028 = arith.constant 0 : i32
    %dma_wait3A_1029 = arith.constant 0 : i32
    %dma_wait3A_1030 = tpu.memref_slice %arg6[%dma_wait3A_1027, %dma_wait3A_1028, %dma_wait3A_1029] : memref<2x128x128xf32, #tpu.memory_space<vmem>> -> memref<1x128x128xf32, #tpu.memory_space<vmem>>
    %dma_wait3A_1031 = tpu.memref_squeeze %dma_wait3A_1030 : memref<1x128x128xf32, #tpu.memory_space<vmem>> -> memref<128x128xf32, #tpu.memory_space<vmem>>
    %dma_wait3A_1032 = arith.constant 2560 : i32
    %dma_wait3A_1033 = tpu.memref_slice %arg5[%dma_wait3A_1032] : memref<3328xi32, #tpu.memory_space<vmem>> -> memref<128xi32, #tpu.memory_space<vmem>>
    %dma_wait3A_1034 = arith.constant 0 : i32
    %dma_wait3A_1035 = arith.constant 0 : i32
    %dma_wait3A_1036 = tpu.memref_slice %arg3[%dma_wait3A_1034, %dma_wait3A_1035] : memref<2600000x128xf32, #tpu.memory_space<hbm>> -> memref<2600000x128xf32, #tpu.memory_space<hbm>>
    tpu.wait_indirect_dma semaphore(%arg7 : memref<!tpu.dma_semaphore, #tpu.memory_space<semaphore_mem>>) src(%dma_wait3A_1036 : memref<2600000x128xf32, #tpu.memory_space<hbm>>) dst(%dma_wait3A_1031 : memref<128x128xf32, #tpu.memory_space<vmem>>)
    %add3A_1037 = arith.constant 2560 : i32
    %add3A_1038 = arith.addi %mul3A_2, %add3A_1037 : i32
    %dma_start3A_1039 = arith.constant 0 : i32
    %dma_start3A_1040 = arith.constant 0 : i32
    %dma_start3A_1041 = arith.constant 0 : i32
    %dma_start3A_1042 = tpu.memref_slice %arg6[%dma_start3A_1039, %dma_start3A_1040, %dma_start3A_1041] : memref<2x128x128xf32, #tpu.memory_space<vmem>> -> memref<1x128x128xf32, #tpu.memory_space<vmem>>
    %dma_start3A_1043 = tpu.memref_squeeze %dma_start3A_1042 : memref<1x128x128xf32, #tpu.memory_space<vmem>> -> memref<128x128xf32, #tpu.memory_space<vmem>>
    %dma_start3A_1044 = arith.constant 0 : i32
    %dma_start3A_1045 = tpu.memref_slice %arg4[%add3A_1038, %dma_start3A_1044] : memref<106496x128xf32, #tpu.memory_space<hbm>> -> memref<128x128xf32, #tpu.memory_space<hbm>>
    %dma_start3A_1046 = arith.constant 0 : i32
    %dma_start3A_1047 = tpu.memref_slice %arg4[%add3A_1038, %dma_start3A_1046] : memref<106496x128xf32, #tpu.memory_space<hbm>> -> memref<128x128xf32, #tpu.memory_space<hbm>>
    %dma_start3A_1048 = arith.constant 0 : i32
    %dma_start3A_1049 = arith.constant 0 : i32
    %dma_start3A_1050 = tpu.memref_slice %arg6[%dma_start3A_1039, %dma_start3A_1048, %dma_start3A_1049] : memref<2x128x128xf32, #tpu.memory_space<vmem>> -> memref<1x128x128xf32, #tpu.memory_space<vmem>>
    %dma_start3A_1051 = tpu.memref_squeeze %dma_start3A_1050 : memref<1x128x128xf32, #tpu.memory_space<vmem>> -> memref<128x128xf32, #tpu.memory_space<vmem>>
    tpu.enqueue_dma source(%dma_start3A_1051 : memref<128x128xf32, #tpu.memory_space<vmem>>) target(%dma_start3A_1047 : memref<128x128xf32, #tpu.memory_space<hbm>>) target_semaphore(%arg9 : memref<!tpu.dma_semaphore, #tpu.memory_space<semaphore_mem>>)
    %add3A_1052 = arith.constant 2560 : i32
    %add3A_1053 = arith.addi %mul3A_2, %add3A_1052 : i32
    %dma_wait3A_1054 = arith.constant 0 : i32
    %dma_wait3A_1055 = arith.constant 0 : i32
    %dma_wait3A_1056 = arith.constant 0 : i32
    %dma_wait3A_1057 = tpu.memref_slice %arg6[%dma_wait3A_1054, %dma_wait3A_1055, %dma_wait3A_1056] : memref<2x128x128xf32, #tpu.memory_space<vmem>> -> memref<1x128x128xf32, #tpu.memory_space<vmem>>
    %dma_wait3A_1058 = tpu.memref_squeeze %dma_wait3A_1057 : memref<1x128x128xf32, #tpu.memory_space<vmem>> -> memref<128x128xf32, #tpu.memory_space<vmem>>
    %dma_wait3A_1059 = arith.constant 0 : i32
    %dma_wait3A_1060 = tpu.memref_slice %arg4[%add3A_1053, %dma_wait3A_1059] : memref<106496x128xf32, #tpu.memory_space<hbm>> -> memref<128x128xf32, #tpu.memory_space<hbm>>
    %dma_wait3A_1061 = arith.constant 0 : i32
    %dma_wait3A_1062 = tpu.memref_slice %arg4[%add3A_1053, %dma_wait3A_1061] : memref<106496x128xf32, #tpu.memory_space<hbm>> -> memref<128x128xf32, #tpu.memory_space<hbm>>
    %dma_wait3A_1063 = arith.constant 0 : i32
    %dma_wait3A_1064 = arith.constant 0 : i32
    %dma_wait3A_1065 = tpu.memref_slice %arg6[%dma_wait3A_1054, %dma_wait3A_1063, %dma_wait3A_1064] : memref<2x128x128xf32, #tpu.memory_space<vmem>> -> memref<1x128x128xf32, #tpu.memory_space<vmem>>
    %dma_wait3A_1066 = tpu.memref_squeeze %dma_wait3A_1065 : memref<1x128x128xf32, #tpu.memory_space<vmem>> -> memref<128x128xf32, #tpu.memory_space<vmem>>
    tpu.wait_dma2 semaphore(%arg9 : memref<!tpu.dma_semaphore, #tpu.memory_space<semaphore_mem>>) src(%dma_wait3A_1066 : memref<128x128xf32, #tpu.memory_space<vmem>>) dst(%dma_wait3A_1062 : memref<128x128xf32, #tpu.memory_space<hbm>>)
    %dma_start3A_1067 = arith.constant 0 : i32
    %dma_start3A_1068 = arith.constant 0 : i32
    %dma_start3A_1069 = arith.constant 0 : i32
    %dma_start3A_1070 = tpu.memref_slice %arg6[%dma_start3A_1067, %dma_start3A_1068, %dma_start3A_1069] : memref<2x128x128xf32, #tpu.memory_space<vmem>> -> memref<1x128x128xf32, #tpu.memory_space<vmem>>
    %dma_start3A_1071 = tpu.memref_squeeze %dma_start3A_1070 : memref<1x128x128xf32, #tpu.memory_space<vmem>> -> memref<128x128xf32, #tpu.memory_space<vmem>>
    %dma_start3A_1072 = arith.constant 2816 : i32
    %dma_start3A_1073 = tpu.memref_slice %arg5[%dma_start3A_1072] : memref<3328xi32, #tpu.memory_space<vmem>> -> memref<128xi32, #tpu.memory_space<vmem>>
    %dma_start3A_1074 = arith.constant 0 : i32
    %dma_start3A_1075 = arith.constant 0 : i32
    %dma_start3A_1076 = tpu.memref_slice %arg3[%dma_start3A_1074, %dma_start3A_1075] : memref<2600000x128xf32, #tpu.memory_space<hbm>> -> memref<2600000x128xf32, #tpu.memory_space<hbm>>
    tpu.enqueue_indirect_dma source(%dma_start3A_1076 : memref<2600000x128xf32, #tpu.memory_space<hbm>>) target(%dma_start3A_1071 : memref<128x128xf32, #tpu.memory_space<vmem>>) offsets(%dma_start3A_1073 : memref<128xi32, #tpu.memory_space<vmem>>) semaphore(%arg7 : memref<!tpu.dma_semaphore, #tpu.memory_space<semaphore_mem>>)
    %dma_wait3A_1077 = arith.constant 1 : i32
    %dma_wait3A_1078 = arith.constant 0 : i32
    %dma_wait3A_1079 = arith.constant 0 : i32
    %dma_wait3A_1080 = tpu.memref_slice %arg6[%dma_wait3A_1077, %dma_wait3A_1078, %dma_wait3A_1079] : memref<2x128x128xf32, #tpu.memory_space<vmem>> -> memref<1x128x128xf32, #tpu.memory_space<vmem>>
    %dma_wait3A_1081 = tpu.memref_squeeze %dma_wait3A_1080 : memref<1x128x128xf32, #tpu.memory_space<vmem>> -> memref<128x128xf32, #tpu.memory_space<vmem>>
    %dma_wait3A_1082 = arith.constant 2688 : i32
    %dma_wait3A_1083 = tpu.memref_slice %arg5[%dma_wait3A_1082] : memref<3328xi32, #tpu.memory_space<vmem>> -> memref<128xi32, #tpu.memory_space<vmem>>
    %dma_wait3A_1084 = arith.constant 0 : i32
    %dma_wait3A_1085 = arith.constant 0 : i32
    %dma_wait3A_1086 = tpu.memref_slice %arg3[%dma_wait3A_1084, %dma_wait3A_1085] : memref<2600000x128xf32, #tpu.memory_space<hbm>> -> memref<2600000x128xf32, #tpu.memory_space<hbm>>
    tpu.wait_indirect_dma semaphore(%arg8 : memref<!tpu.dma_semaphore, #tpu.memory_space<semaphore_mem>>) src(%dma_wait3A_1086 : memref<2600000x128xf32, #tpu.memory_space<hbm>>) dst(%dma_wait3A_1081 : memref<128x128xf32, #tpu.memory_space<vmem>>)
    %add3A_1087 = arith.constant 2688 : i32
    %add3A_1088 = arith.addi %mul3A_2, %add3A_1087 : i32
    %dma_start3A_1089 = arith.constant 1 : i32
    %dma_start3A_1090 = arith.constant 0 : i32
    %dma_start3A_1091 = arith.constant 0 : i32
    %dma_start3A_1092 = tpu.memref_slice %arg6[%dma_start3A_1089, %dma_start3A_1090, %dma_start3A_1091] : memref<2x128x128xf32, #tpu.memory_space<vmem>> -> memref<1x128x128xf32, #tpu.memory_space<vmem>>
    %dma_start3A_1093 = tpu.memref_squeeze %dma_start3A_1092 : memref<1x128x128xf32, #tpu.memory_space<vmem>> -> memref<128x128xf32, #tpu.memory_space<vmem>>
    %dma_start3A_1094 = arith.constant 0 : i32
    %dma_start3A_1095 = tpu.memref_slice %arg4[%add3A_1088, %dma_start3A_1094] : memref<106496x128xf32, #tpu.memory_space<hbm>> -> memref<128x128xf32, #tpu.memory_space<hbm>>
    %dma_start3A_1096 = arith.constant 0 : i32
    %dma_start3A_1097 = tpu.memref_slice %arg4[%add3A_1088, %dma_start3A_1096] : memref<106496x128xf32, #tpu.memory_space<hbm>> -> memref<128x128xf32, #tpu.memory_space<hbm>>
    %dma_start3A_1098 = arith.constant 0 : i32
    %dma_start3A_1099 = arith.constant 0 : i32
    %dma_start3A_1100 = tpu.memref_slice %arg6[%dma_start3A_1089, %dma_start3A_1098, %dma_start3A_1099] : memref<2x128x128xf32, #tpu.memory_space<vmem>> -> memref<1x128x128xf32, #tpu.memory_space<vmem>>
    %dma_start3A_1101 = tpu.memref_squeeze %dma_start3A_1100 : memref<1x128x128xf32, #tpu.memory_space<vmem>> -> memref<128x128xf32, #tpu.memory_space<vmem>>
    tpu.enqueue_dma source(%dma_start3A_1101 : memref<128x128xf32, #tpu.memory_space<vmem>>) target(%dma_start3A_1097 : memref<128x128xf32, #tpu.memory_space<hbm>>) target_semaphore(%arg10 : memref<!tpu.dma_semaphore, #tpu.memory_space<semaphore_mem>>)
    %add3A_1102 = arith.constant 2688 : i32
    %add3A_1103 = arith.addi %mul3A_2, %add3A_1102 : i32
    %dma_wait3A_1104 = arith.constant 1 : i32
    %dma_wait3A_1105 = arith.constant 0 : i32
    %dma_wait3A_1106 = arith.constant 0 : i32
    %dma_wait3A_1107 = tpu.memref_slice %arg6[%dma_wait3A_1104, %dma_wait3A_1105, %dma_wait3A_1106] : memref<2x128x128xf32, #tpu.memory_space<vmem>> -> memref<1x128x128xf32, #tpu.memory_space<vmem>>
    %dma_wait3A_1108 = tpu.memref_squeeze %dma_wait3A_1107 : memref<1x128x128xf32, #tpu.memory_space<vmem>> -> memref<128x128xf32, #tpu.memory_space<vmem>>
    %dma_wait3A_1109 = arith.constant 0 : i32
    %dma_wait3A_1110 = tpu.memref_slice %arg4[%add3A_1103, %dma_wait3A_1109] : memref<106496x128xf32, #tpu.memory_space<hbm>> -> memref<128x128xf32, #tpu.memory_space<hbm>>
    %dma_wait3A_1111 = arith.constant 0 : i32
    %dma_wait3A_1112 = tpu.memref_slice %arg4[%add3A_1103, %dma_wait3A_1111] : memref<106496x128xf32, #tpu.memory_space<hbm>> -> memref<128x128xf32, #tpu.memory_space<hbm>>
    %dma_wait3A_1113 = arith.constant 0 : i32
    %dma_wait3A_1114 = arith.constant 0 : i32
    %dma_wait3A_1115 = tpu.memref_slice %arg6[%dma_wait3A_1104, %dma_wait3A_1113, %dma_wait3A_1114] : memref<2x128x128xf32, #tpu.memory_space<vmem>> -> memref<1x128x128xf32, #tpu.memory_space<vmem>>
    %dma_wait3A_1116 = tpu.memref_squeeze %dma_wait3A_1115 : memref<1x128x128xf32, #tpu.memory_space<vmem>> -> memref<128x128xf32, #tpu.memory_space<vmem>>
    tpu.wait_dma2 semaphore(%arg10 : memref<!tpu.dma_semaphore, #tpu.memory_space<semaphore_mem>>) src(%dma_wait3A_1116 : memref<128x128xf32, #tpu.memory_space<vmem>>) dst(%dma_wait3A_1112 : memref<128x128xf32, #tpu.memory_space<hbm>>)
    %dma_start3A_1117 = arith.constant 1 : i32
    %dma_start3A_1118 = arith.constant 0 : i32
    %dma_start3A_1119 = arith.constant 0 : i32
    %dma_start3A_1120 = tpu.memref_slice %arg6[%dma_start3A_1117, %dma_start3A_1118, %dma_start3A_1119] : memref<2x128x128xf32, #tpu.memory_space<vmem>> -> memref<1x128x128xf32, #tpu.memory_space<vmem>>
    %dma_start3A_1121 = tpu.memref_squeeze %dma_start3A_1120 : memref<1x128x128xf32, #tpu.memory_space<vmem>> -> memref<128x128xf32, #tpu.memory_space<vmem>>
    %dma_start3A_1122 = arith.constant 2944 : i32
    %dma_start3A_1123 = tpu.memref_slice %arg5[%dma_start3A_1122] : memref<3328xi32, #tpu.memory_space<vmem>> -> memref<128xi32, #tpu.memory_space<vmem>>
    %dma_start3A_1124 = arith.constant 0 : i32
    %dma_start3A_1125 = arith.constant 0 : i32
    %dma_start3A_1126 = tpu.memref_slice %arg3[%dma_start3A_1124, %dma_start3A_1125] : memref<2600000x128xf32, #tpu.memory_space<hbm>> -> memref<2600000x128xf32, #tpu.memory_space<hbm>>
    tpu.enqueue_indirect_dma source(%dma_start3A_1126 : memref<2600000x128xf32, #tpu.memory_space<hbm>>) target(%dma_start3A_1121 : memref<128x128xf32, #tpu.memory_space<vmem>>) offsets(%dma_start3A_1123 : memref<128xi32, #tpu.memory_space<vmem>>) semaphore(%arg8 : memref<!tpu.dma_semaphore, #tpu.memory_space<semaphore_mem>>)
    %dma_wait3A_1127 = arith.constant 0 : i32
    %dma_wait3A_1128 = arith.constant 0 : i32
    %dma_wait3A_1129 = arith.constant 0 : i32
    %dma_wait3A_1130 = tpu.memref_slice %arg6[%dma_wait3A_1127, %dma_wait3A_1128, %dma_wait3A_1129] : memref<2x128x128xf32, #tpu.memory_space<vmem>> -> memref<1x128x128xf32, #tpu.memory_space<vmem>>
    %dma_wait3A_1131 = tpu.memref_squeeze %dma_wait3A_1130 : memref<1x128x128xf32, #tpu.memory_space<vmem>> -> memref<128x128xf32, #tpu.memory_space<vmem>>
    %dma_wait3A_1132 = arith.constant 2816 : i32
    %dma_wait3A_1133 = tpu.memref_slice %arg5[%dma_wait3A_1132] : memref<3328xi32, #tpu.memory_space<vmem>> -> memref<128xi32, #tpu.memory_space<vmem>>
    %dma_wait3A_1134 = arith.constant 0 : i32
    %dma_wait3A_1135 = arith.constant 0 : i32
    %dma_wait3A_1136 = tpu.memref_slice %arg3[%dma_wait3A_1134, %dma_wait3A_1135] : memref<2600000x128xf32, #tpu.memory_space<hbm>> -> memref<2600000x128xf32, #tpu.memory_space<hbm>>
    tpu.wait_indirect_dma semaphore(%arg7 : memref<!tpu.dma_semaphore, #tpu.memory_space<semaphore_mem>>) src(%dma_wait3A_1136 : memref<2600000x128xf32, #tpu.memory_space<hbm>>) dst(%dma_wait3A_1131 : memref<128x128xf32, #tpu.memory_space<vmem>>)
    %add3A_1137 = arith.constant 2816 : i32
    %add3A_1138 = arith.addi %mul3A_2, %add3A_1137 : i32
    %dma_start3A_1139 = arith.constant 0 : i32
    %dma_start3A_1140 = arith.constant 0 : i32
    %dma_start3A_1141 = arith.constant 0 : i32
    %dma_start3A_1142 = tpu.memref_slice %arg6[%dma_start3A_1139, %dma_start3A_1140, %dma_start3A_1141] : memref<2x128x128xf32, #tpu.memory_space<vmem>> -> memref<1x128x128xf32, #tpu.memory_space<vmem>>
    %dma_start3A_1143 = tpu.memref_squeeze %dma_start3A_1142 : memref<1x128x128xf32, #tpu.memory_space<vmem>> -> memref<128x128xf32, #tpu.memory_space<vmem>>
    %dma_start3A_1144 = arith.constant 0 : i32
    %dma_start3A_1145 = tpu.memref_slice %arg4[%add3A_1138, %dma_start3A_1144] : memref<106496x128xf32, #tpu.memory_space<hbm>> -> memref<128x128xf32, #tpu.memory_space<hbm>>
    %dma_start3A_1146 = arith.constant 0 : i32
    %dma_start3A_1147 = tpu.memref_slice %arg4[%add3A_1138, %dma_start3A_1146] : memref<106496x128xf32, #tpu.memory_space<hbm>> -> memref<128x128xf32, #tpu.memory_space<hbm>>
    %dma_start3A_1148 = arith.constant 0 : i32
    %dma_start3A_1149 = arith.constant 0 : i32
    %dma_start3A_1150 = tpu.memref_slice %arg6[%dma_start3A_1139, %dma_start3A_1148, %dma_start3A_1149] : memref<2x128x128xf32, #tpu.memory_space<vmem>> -> memref<1x128x128xf32, #tpu.memory_space<vmem>>
    %dma_start3A_1151 = tpu.memref_squeeze %dma_start3A_1150 : memref<1x128x128xf32, #tpu.memory_space<vmem>> -> memref<128x128xf32, #tpu.memory_space<vmem>>
    tpu.enqueue_dma source(%dma_start3A_1151 : memref<128x128xf32, #tpu.memory_space<vmem>>) target(%dma_start3A_1147 : memref<128x128xf32, #tpu.memory_space<hbm>>) target_semaphore(%arg9 : memref<!tpu.dma_semaphore, #tpu.memory_space<semaphore_mem>>)
    %add3A_1152 = arith.constant 2816 : i32
    %add3A_1153 = arith.addi %mul3A_2, %add3A_1152 : i32
    %dma_wait3A_1154 = arith.constant 0 : i32
    %dma_wait3A_1155 = arith.constant 0 : i32
    %dma_wait3A_1156 = arith.constant 0 : i32
    %dma_wait3A_1157 = tpu.memref_slice %arg6[%dma_wait3A_1154, %dma_wait3A_1155, %dma_wait3A_1156] : memref<2x128x128xf32, #tpu.memory_space<vmem>> -> memref<1x128x128xf32, #tpu.memory_space<vmem>>
    %dma_wait3A_1158 = tpu.memref_squeeze %dma_wait3A_1157 : memref<1x128x128xf32, #tpu.memory_space<vmem>> -> memref<128x128xf32, #tpu.memory_space<vmem>>
    %dma_wait3A_1159 = arith.constant 0 : i32
    %dma_wait3A_1160 = tpu.memref_slice %arg4[%add3A_1153, %dma_wait3A_1159] : memref<106496x128xf32, #tpu.memory_space<hbm>> -> memref<128x128xf32, #tpu.memory_space<hbm>>
    %dma_wait3A_1161 = arith.constant 0 : i32
    %dma_wait3A_1162 = tpu.memref_slice %arg4[%add3A_1153, %dma_wait3A_1161] : memref<106496x128xf32, #tpu.memory_space<hbm>> -> memref<128x128xf32, #tpu.memory_space<hbm>>
    %dma_wait3A_1163 = arith.constant 0 : i32
    %dma_wait3A_1164 = arith.constant 0 : i32
    %dma_wait3A_1165 = tpu.memref_slice %arg6[%dma_wait3A_1154, %dma_wait3A_1163, %dma_wait3A_1164] : memref<2x128x128xf32, #tpu.memory_space<vmem>> -> memref<1x128x128xf32, #tpu.memory_space<vmem>>
    %dma_wait3A_1166 = tpu.memref_squeeze %dma_wait3A_1165 : memref<1x128x128xf32, #tpu.memory_space<vmem>> -> memref<128x128xf32, #tpu.memory_space<vmem>>
    tpu.wait_dma2 semaphore(%arg9 : memref<!tpu.dma_semaphore, #tpu.memory_space<semaphore_mem>>) src(%dma_wait3A_1166 : memref<128x128xf32, #tpu.memory_space<vmem>>) dst(%dma_wait3A_1162 : memref<128x128xf32, #tpu.memory_space<hbm>>)
    %dma_start3A_1167 = arith.constant 0 : i32
    %dma_start3A_1168 = arith.constant 0 : i32
    %dma_start3A_1169 = arith.constant 0 : i32
    %dma_start3A_1170 = tpu.memref_slice %arg6[%dma_start3A_1167, %dma_start3A_1168, %dma_start3A_1169] : memref<2x128x128xf32, #tpu.memory_space<vmem>> -> memref<1x128x128xf32, #tpu.memory_space<vmem>>
    %dma_start3A_1171 = tpu.memref_squeeze %dma_start3A_1170 : memref<1x128x128xf32, #tpu.memory_space<vmem>> -> memref<128x128xf32, #tpu.memory_space<vmem>>
    %dma_start3A_1172 = arith.constant 3072 : i32
    %dma_start3A_1173 = tpu.memref_slice %arg5[%dma_start3A_1172] : memref<3328xi32, #tpu.memory_space<vmem>> -> memref<128xi32, #tpu.memory_space<vmem>>
    %dma_start3A_1174 = arith.constant 0 : i32
    %dma_start3A_1175 = arith.constant 0 : i32
    %dma_start3A_1176 = tpu.memref_slice %arg3[%dma_start3A_1174, %dma_start3A_1175] : memref<2600000x128xf32, #tpu.memory_space<hbm>> -> memref<2600000x128xf32, #tpu.memory_space<hbm>>
    tpu.enqueue_indirect_dma source(%dma_start3A_1176 : memref<2600000x128xf32, #tpu.memory_space<hbm>>) target(%dma_start3A_1171 : memref<128x128xf32, #tpu.memory_space<vmem>>) offsets(%dma_start3A_1173 : memref<128xi32, #tpu.memory_space<vmem>>) semaphore(%arg7 : memref<!tpu.dma_semaphore, #tpu.memory_space<semaphore_mem>>)
    %dma_wait3A_1177 = arith.constant 1 : i32
    %dma_wait3A_1178 = arith.constant 0 : i32
    %dma_wait3A_1179 = arith.constant 0 : i32
    %dma_wait3A_1180 = tpu.memref_slice %arg6[%dma_wait3A_1177, %dma_wait3A_1178, %dma_wait3A_1179] : memref<2x128x128xf32, #tpu.memory_space<vmem>> -> memref<1x128x128xf32, #tpu.memory_space<vmem>>
    %dma_wait3A_1181 = tpu.memref_squeeze %dma_wait3A_1180 : memref<1x128x128xf32, #tpu.memory_space<vmem>> -> memref<128x128xf32, #tpu.memory_space<vmem>>
    %dma_wait3A_1182 = arith.constant 2944 : i32
    %dma_wait3A_1183 = tpu.memref_slice %arg5[%dma_wait3A_1182] : memref<3328xi32, #tpu.memory_space<vmem>> -> memref<128xi32, #tpu.memory_space<vmem>>
    %dma_wait3A_1184 = arith.constant 0 : i32
    %dma_wait3A_1185 = arith.constant 0 : i32
    %dma_wait3A_1186 = tpu.memref_slice %arg3[%dma_wait3A_1184, %dma_wait3A_1185] : memref<2600000x128xf32, #tpu.memory_space<hbm>> -> memref<2600000x128xf32, #tpu.memory_space<hbm>>
    tpu.wait_indirect_dma semaphore(%arg8 : memref<!tpu.dma_semaphore, #tpu.memory_space<semaphore_mem>>) src(%dma_wait3A_1186 : memref<2600000x128xf32, #tpu.memory_space<hbm>>) dst(%dma_wait3A_1181 : memref<128x128xf32, #tpu.memory_space<vmem>>)
    %add3A_1187 = arith.constant 2944 : i32
    %add3A_1188 = arith.addi %mul3A_2, %add3A_1187 : i32
    %dma_start3A_1189 = arith.constant 1 : i32
    %dma_start3A_1190 = arith.constant 0 : i32
    %dma_start3A_1191 = arith.constant 0 : i32
    %dma_start3A_1192 = tpu.memref_slice %arg6[%dma_start3A_1189, %dma_start3A_1190, %dma_start3A_1191] : memref<2x128x128xf32, #tpu.memory_space<vmem>> -> memref<1x128x128xf32, #tpu.memory_space<vmem>>
    %dma_start3A_1193 = tpu.memref_squeeze %dma_start3A_1192 : memref<1x128x128xf32, #tpu.memory_space<vmem>> -> memref<128x128xf32, #tpu.memory_space<vmem>>
    %dma_start3A_1194 = arith.constant 0 : i32
    %dma_start3A_1195 = tpu.memref_slice %arg4[%add3A_1188, %dma_start3A_1194] : memref<106496x128xf32, #tpu.memory_space<hbm>> -> memref<128x128xf32, #tpu.memory_space<hbm>>
    %dma_start3A_1196 = arith.constant 0 : i32
    %dma_start3A_1197 = tpu.memref_slice %arg4[%add3A_1188, %dma_start3A_1196] : memref<106496x128xf32, #tpu.memory_space<hbm>> -> memref<128x128xf32, #tpu.memory_space<hbm>>
    %dma_start3A_1198 = arith.constant 0 : i32
    %dma_start3A_1199 = arith.constant 0 : i32
    %dma_start3A_1200 = tpu.memref_slice %arg6[%dma_start3A_1189, %dma_start3A_1198, %dma_start3A_1199] : memref<2x128x128xf32, #tpu.memory_space<vmem>> -> memref<1x128x128xf32, #tpu.memory_space<vmem>>
    %dma_start3A_1201 = tpu.memref_squeeze %dma_start3A_1200 : memref<1x128x128xf32, #tpu.memory_space<vmem>> -> memref<128x128xf32, #tpu.memory_space<vmem>>
    tpu.enqueue_dma source(%dma_start3A_1201 : memref<128x128xf32, #tpu.memory_space<vmem>>) target(%dma_start3A_1197 : memref<128x128xf32, #tpu.memory_space<hbm>>) target_semaphore(%arg10 : memref<!tpu.dma_semaphore, #tpu.memory_space<semaphore_mem>>)
    %add3A_1202 = arith.constant 2944 : i32
    %add3A_1203 = arith.addi %mul3A_2, %add3A_1202 : i32
    %dma_wait3A_1204 = arith.constant 1 : i32
    %dma_wait3A_1205 = arith.constant 0 : i32
    %dma_wait3A_1206 = arith.constant 0 : i32
    %dma_wait3A_1207 = tpu.memref_slice %arg6[%dma_wait3A_1204, %dma_wait3A_1205, %dma_wait3A_1206] : memref<2x128x128xf32, #tpu.memory_space<vmem>> -> memref<1x128x128xf32, #tpu.memory_space<vmem>>
    %dma_wait3A_1208 = tpu.memref_squeeze %dma_wait3A_1207 : memref<1x128x128xf32, #tpu.memory_space<vmem>> -> memref<128x128xf32, #tpu.memory_space<vmem>>
    %dma_wait3A_1209 = arith.constant 0 : i32
    %dma_wait3A_1210 = tpu.memref_slice %arg4[%add3A_1203, %dma_wait3A_1209] : memref<106496x128xf32, #tpu.memory_space<hbm>> -> memref<128x128xf32, #tpu.memory_space<hbm>>
    %dma_wait3A_1211 = arith.constant 0 : i32
    %dma_wait3A_1212 = tpu.memref_slice %arg4[%add3A_1203, %dma_wait3A_1211] : memref<106496x128xf32, #tpu.memory_space<hbm>> -> memref<128x128xf32, #tpu.memory_space<hbm>>
    %dma_wait3A_1213 = arith.constant 0 : i32
    %dma_wait3A_1214 = arith.constant 0 : i32
    %dma_wait3A_1215 = tpu.memref_slice %arg6[%dma_wait3A_1204, %dma_wait3A_1213, %dma_wait3A_1214] : memref<2x128x128xf32, #tpu.memory_space<vmem>> -> memref<1x128x128xf32, #tpu.memory_space<vmem>>
    %dma_wait3A_1216 = tpu.memref_squeeze %dma_wait3A_1215 : memref<1x128x128xf32, #tpu.memory_space<vmem>> -> memref<128x128xf32, #tpu.memory_space<vmem>>
    tpu.wait_dma2 semaphore(%arg10 : memref<!tpu.dma_semaphore, #tpu.memory_space<semaphore_mem>>) src(%dma_wait3A_1216 : memref<128x128xf32, #tpu.memory_space<vmem>>) dst(%dma_wait3A_1212 : memref<128x128xf32, #tpu.memory_space<hbm>>)
    %dma_start3A_1217 = arith.constant 1 : i32
    %dma_start3A_1218 = arith.constant 0 : i32
    %dma_start3A_1219 = arith.constant 0 : i32
    %dma_start3A_1220 = tpu.memref_slice %arg6[%dma_start3A_1217, %dma_start3A_1218, %dma_start3A_1219] : memref<2x128x128xf32, #tpu.memory_space<vmem>> -> memref<1x128x128xf32, #tpu.memory_space<vmem>>
    %dma_start3A_1221 = tpu.memref_squeeze %dma_start3A_1220 : memref<1x128x128xf32, #tpu.memory_space<vmem>> -> memref<128x128xf32, #tpu.memory_space<vmem>>
    %dma_start3A_1222 = arith.constant 3200 : i32
    %dma_start3A_1223 = tpu.memref_slice %arg5[%dma_start3A_1222] : memref<3328xi32, #tpu.memory_space<vmem>> -> memref<128xi32, #tpu.memory_space<vmem>>
    %dma_start3A_1224 = arith.constant 0 : i32
    %dma_start3A_1225 = arith.constant 0 : i32
    %dma_start3A_1226 = tpu.memref_slice %arg3[%dma_start3A_1224, %dma_start3A_1225] : memref<2600000x128xf32, #tpu.memory_space<hbm>> -> memref<2600000x128xf32, #tpu.memory_space<hbm>>
    tpu.enqueue_indirect_dma source(%dma_start3A_1226 : memref<2600000x128xf32, #tpu.memory_space<hbm>>) target(%dma_start3A_1221 : memref<128x128xf32, #tpu.memory_space<vmem>>) offsets(%dma_start3A_1223 : memref<128xi32, #tpu.memory_space<vmem>>) semaphore(%arg8 : memref<!tpu.dma_semaphore, #tpu.memory_space<semaphore_mem>>)
    %dma_wait3A_1227 = arith.constant 0 : i32
    %dma_wait3A_1228 = arith.constant 0 : i32
    %dma_wait3A_1229 = arith.constant 0 : i32
    %dma_wait3A_1230 = tpu.memref_slice %arg6[%dma_wait3A_1227, %dma_wait3A_1228, %dma_wait3A_1229] : memref<2x128x128xf32, #tpu.memory_space<vmem>> -> memref<1x128x128xf32, #tpu.memory_space<vmem>>
    %dma_wait3A_1231 = tpu.memref_squeeze %dma_wait3A_1230 : memref<1x128x128xf32, #tpu.memory_space<vmem>> -> memref<128x128xf32, #tpu.memory_space<vmem>>
    %dma_wait3A_1232 = arith.constant 3072 : i32
    %dma_wait3A_1233 = tpu.memref_slice %arg5[%dma_wait3A_1232] : memref<3328xi32, #tpu.memory_space<vmem>> -> memref<128xi32, #tpu.memory_space<vmem>>
    %dma_wait3A_1234 = arith.constant 0 : i32
    %dma_wait3A_1235 = arith.constant 0 : i32
    %dma_wait3A_1236 = tpu.memref_slice %arg3[%dma_wait3A_1234, %dma_wait3A_1235] : memref<2600000x128xf32, #tpu.memory_space<hbm>> -> memref<2600000x128xf32, #tpu.memory_space<hbm>>
    tpu.wait_indirect_dma semaphore(%arg7 : memref<!tpu.dma_semaphore, #tpu.memory_space<semaphore_mem>>) src(%dma_wait3A_1236 : memref<2600000x128xf32, #tpu.memory_space<hbm>>) dst(%dma_wait3A_1231 : memref<128x128xf32, #tpu.memory_space<vmem>>)
    %add3A_1237 = arith.constant 3072 : i32
    %add3A_1238 = arith.addi %mul3A_2, %add3A_1237 : i32
    %dma_start3A_1239 = arith.constant 0 : i32
    %dma_start3A_1240 = arith.constant 0 : i32
    %dma_start3A_1241 = arith.constant 0 : i32
    %dma_start3A_1242 = tpu.memref_slice %arg6[%dma_start3A_1239, %dma_start3A_1240, %dma_start3A_1241] : memref<2x128x128xf32, #tpu.memory_space<vmem>> -> memref<1x128x128xf32, #tpu.memory_space<vmem>>
    %dma_start3A_1243 = tpu.memref_squeeze %dma_start3A_1242 : memref<1x128x128xf32, #tpu.memory_space<vmem>> -> memref<128x128xf32, #tpu.memory_space<vmem>>
    %dma_start3A_1244 = arith.constant 0 : i32
    %dma_start3A_1245 = tpu.memref_slice %arg4[%add3A_1238, %dma_start3A_1244] : memref<106496x128xf32, #tpu.memory_space<hbm>> -> memref<128x128xf32, #tpu.memory_space<hbm>>
    %dma_start3A_1246 = arith.constant 0 : i32
    %dma_start3A_1247 = tpu.memref_slice %arg4[%add3A_1238, %dma_start3A_1246] : memref<106496x128xf32, #tpu.memory_space<hbm>> -> memref<128x128xf32, #tpu.memory_space<hbm>>
    %dma_start3A_1248 = arith.constant 0 : i32
    %dma_start3A_1249 = arith.constant 0 : i32
    %dma_start3A_1250 = tpu.memref_slice %arg6[%dma_start3A_1239, %dma_start3A_1248, %dma_start3A_1249] : memref<2x128x128xf32, #tpu.memory_space<vmem>> -> memref<1x128x128xf32, #tpu.memory_space<vmem>>
    %dma_start3A_1251 = tpu.memref_squeeze %dma_start3A_1250 : memref<1x128x128xf32, #tpu.memory_space<vmem>> -> memref<128x128xf32, #tpu.memory_space<vmem>>
    tpu.enqueue_dma source(%dma_start3A_1251 : memref<128x128xf32, #tpu.memory_space<vmem>>) target(%dma_start3A_1247 : memref<128x128xf32, #tpu.memory_space<hbm>>) target_semaphore(%arg9 : memref<!tpu.dma_semaphore, #tpu.memory_space<semaphore_mem>>)
    %dma_wait3A_1252 = arith.constant 1 : i32
    %dma_wait3A_1253 = arith.constant 0 : i32
    %dma_wait3A_1254 = arith.constant 0 : i32
    %dma_wait3A_1255 = tpu.memref_slice %arg6[%dma_wait3A_1252, %dma_wait3A_1253, %dma_wait3A_1254] : memref<2x128x128xf32, #tpu.memory_space<vmem>> -> memref<1x128x128xf32, #tpu.memory_space<vmem>>
    %dma_wait3A_1256 = tpu.memref_squeeze %dma_wait3A_1255 : memref<1x128x128xf32, #tpu.memory_space<vmem>> -> memref<128x128xf32, #tpu.memory_space<vmem>>
    %dma_wait3A_1257 = arith.constant 3200 : i32
    %dma_wait3A_1258 = tpu.memref_slice %arg5[%dma_wait3A_1257] : memref<3328xi32, #tpu.memory_space<vmem>> -> memref<128xi32, #tpu.memory_space<vmem>>
    %dma_wait3A_1259 = arith.constant 0 : i32
    %dma_wait3A_1260 = arith.constant 0 : i32
    %dma_wait3A_1261 = tpu.memref_slice %arg3[%dma_wait3A_1259, %dma_wait3A_1260] : memref<2600000x128xf32, #tpu.memory_space<hbm>> -> memref<2600000x128xf32, #tpu.memory_space<hbm>>
    tpu.wait_indirect_dma semaphore(%arg8 : memref<!tpu.dma_semaphore, #tpu.memory_space<semaphore_mem>>) src(%dma_wait3A_1261 : memref<2600000x128xf32, #tpu.memory_space<hbm>>) dst(%dma_wait3A_1256 : memref<128x128xf32, #tpu.memory_space<vmem>>)
    %add3A_1262 = arith.constant 3200 : i32
    %add3A_1263 = arith.addi %mul3A_2, %add3A_1262 : i32
    %dma_start3A_1264 = arith.constant 1 : i32
    %dma_start3A_1265 = arith.constant 0 : i32
    %dma_start3A_1266 = arith.constant 0 : i32
    %dma_start3A_1267 = tpu.memref_slice %arg6[%dma_start3A_1264, %dma_start3A_1265, %dma_start3A_1266] : memref<2x128x128xf32, #tpu.memory_space<vmem>> -> memref<1x128x128xf32, #tpu.memory_space<vmem>>
    %dma_start3A_1268 = tpu.memref_squeeze %dma_start3A_1267 : memref<1x128x128xf32, #tpu.memory_space<vmem>> -> memref<128x128xf32, #tpu.memory_space<vmem>>
    %dma_start3A_1269 = arith.constant 0 : i32
    %dma_start3A_1270 = tpu.memref_slice %arg4[%add3A_1263, %dma_start3A_1269] : memref<106496x128xf32, #tpu.memory_space<hbm>> -> memref<128x128xf32, #tpu.memory_space<hbm>>
    %dma_start3A_1271 = arith.constant 0 : i32
    %dma_start3A_1272 = tpu.memref_slice %arg4[%add3A_1263, %dma_start3A_1271] : memref<106496x128xf32, #tpu.memory_space<hbm>> -> memref<128x128xf32, #tpu.memory_space<hbm>>
    %dma_start3A_1273 = arith.constant 0 : i32
    %dma_start3A_1274 = arith.constant 0 : i32
    %dma_start3A_1275 = tpu.memref_slice %arg6[%dma_start3A_1264, %dma_start3A_1273, %dma_start3A_1274] : memref<2x128x128xf32, #tpu.memory_space<vmem>> -> memref<1x128x128xf32, #tpu.memory_space<vmem>>
    %dma_start3A_1276 = tpu.memref_squeeze %dma_start3A_1275 : memref<1x128x128xf32, #tpu.memory_space<vmem>> -> memref<128x128xf32, #tpu.memory_space<vmem>>
    tpu.enqueue_dma source(%dma_start3A_1276 : memref<128x128xf32, #tpu.memory_space<vmem>>) target(%dma_start3A_1272 : memref<128x128xf32, #tpu.memory_space<hbm>>) target_semaphore(%arg10 : memref<!tpu.dma_semaphore, #tpu.memory_space<semaphore_mem>>)
    %add3A_1277 = arith.constant 3072 : i32
    %add3A_1278 = arith.addi %mul3A_2, %add3A_1277 : i32
    %dma_wait3A_1279 = arith.constant 0 : i32
    %dma_wait3A_1280 = arith.constant 0 : i32
    %dma_wait3A_1281 = arith.constant 0 : i32
    %dma_wait3A_1282 = tpu.memref_slice %arg6[%dma_wait3A_1279, %dma_wait3A_1280, %dma_wait3A_1281] : memref<2x128x128xf32, #tpu.memory_space<vmem>> -> memref<1x128x128xf32, #tpu.memory_space<vmem>>
    %dma_wait3A_1283 = tpu.memref_squeeze %dma_wait3A_1282 : memref<1x128x128xf32, #tpu.memory_space<vmem>> -> memref<128x128xf32, #tpu.memory_space<vmem>>
    %dma_wait3A_1284 = arith.constant 0 : i32
    %dma_wait3A_1285 = tpu.memref_slice %arg4[%add3A_1278, %dma_wait3A_1284] : memref<106496x128xf32, #tpu.memory_space<hbm>> -> memref<128x128xf32, #tpu.memory_space<hbm>>
    %dma_wait3A_1286 = arith.constant 0 : i32
    %dma_wait3A_1287 = tpu.memref_slice %arg4[%add3A_1278, %dma_wait3A_1286] : memref<106496x128xf32, #tpu.memory_space<hbm>> -> memref<128x128xf32, #tpu.memory_space<hbm>>
    %dma_wait3A_1288 = arith.constant 0 : i32
    %dma_wait3A_1289 = arith.constant 0 : i32
    %dma_wait3A_1290 = tpu.memref_slice %arg6[%dma_wait3A_1279, %dma_wait3A_1288, %dma_wait3A_1289] : memref<2x128x128xf32, #tpu.memory_space<vmem>> -> memref<1x128x128xf32, #tpu.memory_space<vmem>>
    %dma_wait3A_1291 = tpu.memref_squeeze %dma_wait3A_1290 : memref<1x128x128xf32, #tpu.memory_space<vmem>> -> memref<128x128xf32, #tpu.memory_space<vmem>>
    tpu.wait_dma2 semaphore(%arg9 : memref<!tpu.dma_semaphore, #tpu.memory_space<semaphore_mem>>) src(%dma_wait3A_1291 : memref<128x128xf32, #tpu.memory_space<vmem>>) dst(%dma_wait3A_1287 : memref<128x128xf32, #tpu.memory_space<hbm>>)
    %add3A_1292 = arith.constant 3200 : i32
    %add3A_1293 = arith.addi %mul3A_2, %add3A_1292 : i32
    %dma_wait3A_1294 = arith.constant 1 : i32
    %dma_wait3A_1295 = arith.constant 0 : i32
    %dma_wait3A_1296 = arith.constant 0 : i32
    %dma_wait3A_1297 = tpu.memref_slice %arg6[%dma_wait3A_1294, %dma_wait3A_1295, %dma_wait3A_1296] : memref<2x128x128xf32, #tpu.memory_space<vmem>> -> memref<1x128x128xf32, #tpu.memory_space<vmem>>
    %dma_wait3A_1298 = tpu.memref_squeeze %dma_wait3A_1297 : memref<1x128x128xf32, #tpu.memory_space<vmem>> -> memref<128x128xf32, #tpu.memory_space<vmem>>
    %dma_wait3A_1299 = arith.constant 0 : i32
    %dma_wait3A_1300 = tpu.memref_slice %arg4[%add3A_1293, %dma_wait3A_1299] : memref<106496x128xf32, #tpu.memory_space<hbm>> -> memref<128x128xf32, #tpu.memory_space<hbm>>
    %dma_wait3A_1301 = arith.constant 0 : i32
    %dma_wait3A_1302 = tpu.memref_slice %arg4[%add3A_1293, %dma_wait3A_1301] : memref<106496x128xf32, #tpu.memory_space<hbm>> -> memref<128x128xf32, #tpu.memory_space<hbm>>
    %dma_wait3A_1303 = arith.constant 0 : i32
    %dma_wait3A_1304 = arith.constant 0 : i32
    %dma_wait3A_1305 = tpu.memref_slice %arg6[%dma_wait3A_1294, %dma_wait3A_1303, %dma_wait3A_1304] : memref<2x128x128xf32, #tpu.memory_space<vmem>> -> memref<1x128x128xf32, #tpu.memory_space<vmem>>
    %dma_wait3A_1306 = tpu.memref_squeeze %dma_wait3A_1305 : memref<1x128x128xf32, #tpu.memory_space<vmem>> -> memref<128x128xf32, #tpu.memory_space<vmem>>
    tpu.wait_dma2 semaphore(%arg10 : memref<!tpu.dma_semaphore, #tpu.memory_space<semaphore_mem>>) src(%dma_wait3A_1306 : memref<128x128xf32, #tpu.memory_space<vmem>>) dst(%dma_wait3A_1302 : memref<128x128xf32, #tpu.memory_space<hbm>>)
    return
  }
}

</mosaic_0001>

<sc_bundles>
// kernel: kernel.3.cloned.1.call-start
scs
__scs_entry_jumppad:
0x0: {  	(pc) =	sbr.rel $0x88, $3  }
0x1: {  	(tag) =	ssettag $0x0;
	lr =	simm.s32 $0x1  }
0x2: {  	[smem:$0x3F9F] =	sst lr;
	_ =	strace $0xD0000000  }
0x3: {  	_ = 	snop  }
0x4: {  	_ = 	snop  }
0x5: {  	_ = 	snop  }
0x6: {  	_ = 	snop  }
0x7: {  	_ = 	snop  }
__scs_overlays_trampoline_lowered:
0x8: {  	[smem:$0x3FAE] =	sst s0  }
0x9: {  	[smem:$0x3FAF] =	sst s1  }
0xa: {  	[smem:$0x3FB0] =	sst s2  }
0xb: {  	[smem:$0x3FB1] =	sst s3  }
0xc: {  	[smem:$0x3FB2] =	sst s4  }
0xd: {  	[smem:$0x3FB3] =	sst s5  }
0xe: {  	[smem:$0x3FB4] =	sst s6  }
0xf: {  	[smem:$0x3FB5] =	sst s7  }
0x10: {  	[smem:$0x3FB6] =	sst s8  }
0x11: {  	[smem:$0x3FB7] =	sst s9;
	s0 =	simm.s32 @!p0 $0x0  }
0x12: {  	s1 =	sld [smem:$0x3F9D];
	s0 =	simm.s32 @p0 $0x1  }
0x13: {  	[smem:$0x3FB8] =	sst s0;
	s0 =	simm.s32 @!p1 $0x0  }
0x14: {  	s2 =	sld [smem:$0x3F9C];
	s0 =	simm.s32 @p1 $0x1  }
0x15: {  	[smem:$0x3FB9] =	sst s0;
	s0 =	simm.s32 @!p2 $0x0  }
0x16: {  	s3 =	sld [smem:$0x3FDB];
	s0 =	simm.s32 @p2 $0x1  }
0x17: {  	s4 =	simm.s32 $0x1BF5;
	[smem:$0x3FBB] =	sst s0  }
0x18: {  	s0 =	sld [smem:$0x3F9E];
	_ =	swait.ge [sflag:s4], $0x0  }
0x19: {  	s7 =	sld [smem:$0x3F9F]  }
0x1a: {  	s8 =	sadd.s32 $0xFFFFE003, lr  }
0x1b: {  	s9 =	sadd.s32 $0xFFFFFEF7, lr;
	s5 =	simm.s32 $0xFFFFFFFF;
	p2 =	slt.u32 s8, $0xFFFFF086  }
0x1c: {  	p1 =	slt.u32 s9, $0xF7A;
	s5 =	simm.s32 @!p2 $0x0  }
0x1d: {  	s5 =	simm.s32 @p1 $0x1;
	p0 =	seq.s32 s7, s2  }
0x1e: {  	s7 =	smul.u32 @!p0 $0xF7A, s2;
	p2 =	seq.s32 @!p0 s5, $0x0  }
0x1f: {  	s9 =	smul.u32 $0xF7A, s1;
	s8 =	simm.s32 @!p0 $0x1BF5;
	p2 =	por !p2, p0  }
0x20: {  	[sflag:s8] =	ssyncset.s32 @!p0 $0xFFFFF086;
	s6 =	sadd.s32 @!p0 s3, s7;
	s7 =	simm.s32 @!p0 $0x108  }
0x21: {  	s3 =	sadd.s32 s3, s9;
	s6 =	sadd.s32 @!p0 $0x88, s6;
	s7 =	simm.s32 @p2 $0x1082  }
0x22: {  	[simem:s7], [sflag:s8] =	dma.local @!p0 [hbm:s6], $0xF7A  }
0x23: {  	s9 =	sor.u32 $0xD0000000, s2;
	s6 =	simm.s32 $0x108;
	_ =	swait.ge @!p0 [sflag:s8], $0x0  }
0x24: {  	s3 =	sadd.s32 $0x88, s3;
	s6 =	simm.s32 @!p1 $0x1082;
	[sflag:s4] =	ssyncset.s32 $0xFFFFF086  }
0x25: {  	[simem:s6], [sflag:s4] =	dma.local [hbm:s3], $0xF7A  }
0x26: {  	[smem:$0x3F9F] =	sst s1;
	(tag) =	ssettag s2;
	_ =	strace s9  }
0x27: {  	s1 =	sld [smem:$0x3FAF]  }
0x28: {  	s2 =	sld [smem:$0x3FB0]  }
0x29: {  	s4 =	sld [smem:$0x3FB2]  }
0x2a: {  	p0 =	seq.s32 s5, $0x0;
	s5 =	sld [smem:$0x3FB3]  }
0x2b: {  	s6 =	sld [smem:$0x3FB4]  }
0x2c: {  	s7 =	sld [smem:$0x3FB5]  }
0x2d: {  	s3 =	simm.s32 $0x108;
	s8 =	sld [smem:$0x3FB6]  }
0x2e: {  	s3 =	simm.s32 @!p0 $0x1082;
	s9 =	sld [smem:$0x3FB7]  }
0x2f: {  	lr =	sadd.s32 s0, s3;
	s0 =	sld [smem:$0x3FAE]  }
0x30: {  	s3 =	sld [smem:$0x3FB1]  }
0x31: {  	[smem:$0x3FBA] =	sst s10  }
0x32: {  	s10 =	sld [smem:$0x3FB8];
	_ =	sdelay $0x3  }
0x33: {  	p0 =	seq.s32 s10, $0x1;
	s10 =	sld [smem:$0x3FBA];
	_ =	sdelay $0x3  }
0x34: {  	[smem:$0x3FBA] =	sst s10  }
0x35: {  	s10 =	sld [smem:$0x3FB9];
	_ =	sdelay $0x3  }
0x36: {  	p1 =	seq.s32 s10, $0x1;
	s10 =	sld [smem:$0x3FBA];
	_ =	sdelay $0x3  }
0x37: {  	[smem:$0x3FBA] =	sst s10  }
0x38: {  	s10 =	sld [smem:$0x3FBB]  }
0x39: {  	_ = 	snop;
	(pc) =	sbr.ind lr, $3  }
0x3a: {  	_ = 	snop  }
0x3b: {  	_ = 	snop  }
0x3c: {  	p2 =	seq.s32 s10, $0x1;
	s10 =	sld [smem:$0x3FBA]  }
0x3d: {  	_ =	shalt  }
0x3e: {  	_ =	shalt  }
0x3f: {  	_ =	shalt  }
0x40: {  	_ =	shalt  }
0x41: {  	_ =	shalt  }
0x42: {  	_ =	shalt  }
0x43: {  	_ =	shalt  }
0x44: {  	_ =	shalt  }
0x45: {  	_ =	shalt  }
0x46: {  	_ =	shalt  }
0x47: {  	_ =	shalt  }
0x48: {  	_ =	shalt  }
0x49: {  	_ =	shalt  }
0x4a: {  	_ =	shalt  }
0x4b: {  	_ =	shalt  }
0x4c: {  	_ =	shalt  }
0x4d: {  	_ =	shalt  }
0x4e: {  	_ =	shalt  }
0x4f: {  	_ =	shalt  }
0x50: {  	_ =	shalt  }
0x51: {  	_ =	shalt  }
0x52: {  	_ =	shalt  }
0x53: {  	_ =	shalt  }
0x54: {  	_ =	shalt  }
0x55: {  	_ =	shalt  }
0x56: {  	_ =	shalt  }
0x57: {  	_ =	shalt  }
0x58: {  	_ =	shalt  }
0x59: {  	_ =	shalt  }
0x5a: {  	_ =	shalt  }
0x5b: {  	_ =	shalt  }
0x5c: {  	_ =	shalt  }
0x5d: {  	_ =	shalt  }
0x5e: {  	_ =	shalt  }
0x5f: {  	_ =	shalt  }
0x60: {  	_ =	shalt  }
0x61: {  	_ =	shalt  }
0x62: {  	_ =	shalt  }
0x63: {  	_ =	shalt  }
0x64: {  	_ =	shalt  }
0x65: {  	_ =	shalt  }
0x66: {  	_ =	shalt  }
0x67: {  	_ =	shalt  }
0x68: {  	_ =	shalt  }
0x69: {  	_ =	shalt  }
0x6a: {  	_ =	shalt  }
0x6b: {  	_ =	shalt  }
0x6c: {  	_ =	shalt  }
0x6d: {  	_ =	shalt  }
0x6e: {  	_ =	shalt  }
0x6f: {  	_ =	shalt  }
0x70: {  	_ =	shalt  }
0x71: {  	_ =	shalt  }
0x72: {  	_ =	shalt  }
0x73: {  	_ =	shalt  }
0x74: {  	_ =	shalt  }
0x75: {  	_ =	shalt  }
0x76: {  	_ =	shalt  }
0x77: {  	_ =	shalt  }
0x78: {  	_ =	shalt  }
0x79: {  	_ =	shalt  }
0x7a: {  	_ =	shalt  }
0x7b: {  	_ =	shalt  }
0x7c: {  	_ =	shalt  }
0x7d: {  	_ =	shalt  }
0x7e: {  	_ =	shalt  }
0x7f: {  	_ =	shalt  }
0x80: {  	_ =	shalt  }
0x81: {  	_ =	shalt  }
0x82: {  	_ =	shalt  }
0x83: {  	_ =	shalt  }
0x84: {  	_ =	shalt  }
0x85: {  	_ =	shalt  }
0x86: {  	_ =	shalt  }
0x87: {  	_ =	shalt  }
.Lfunc_end0:
.L_simem_size_0:
called_computation_lowered:
.L_overlay_start_0:
0x88: {  	s2 =	sld [smem:$0x3FD9]  }
0x89: {  	s3 =	sld [smem:$0x3FFE];
	_ =	sdelay $0x1  }
0x8a: {  	s1 =	srdreg.scid  }
0x8b: {  	s0 =	sand.u32 $0x1, s1  }
0x8c: {  	s17 =	sshll.u32 s0, $0xA;
	s2 =	sadd.s32 s3, s2  }
0x8d: {  	s2 =	sadd.s32 s2, s17  }
0x8e: {  	[smem:$0x3FC6] =	sst s2  }
0x8f: {  	_ = 	snop  }
0x90: {  	s2 =	sld [smem:$0x3FD0];
	(tm) =	ssettm $0x1  }
0x91: {  	s18 =	sld [smem:$0x3FFB];
	_ =	sdelay $0x3  }
0x92: {  	_ =	strace s18  }
0x93: {  	s3 =	sld [smem:$0x3FFC];
	_ =	sdelay $0x3  }
0x94: {  	_ =	strace s3  }
0x95: {  	s3 =	sld [smem:$0x3FFD];
	_ =	sdelay $0x3  }
0x96: {  	_ =	strace s3  }
0x97: {  	_ =	strace $0x8FFFFFFF  }
0x98: {  	s19 =	sld [smem:$0x3FDB];
	_ =	sdelay $0x1  }
0x99: {  	s4 =	simm.s32 $_scs_section_size  }
0x9a: {  	s5 =	simm.s32 $_size__tile_overlayer_lowered;
	s6 =	simm.s32 $_tile_overlayer_lowered  }
0x9b: {  	s22 =	simm.s32 $0x1BFF;
	s21 =	sshll.u32 s6, $0x1;
	s3 =	sadd.s32 s4, s19  }
0x9c: {  	s7 =	simm.s32 $0x0;
	s20 =	sshll.u32 s5, $0x1;
	s5 =	sadd.s32 s21, s3  }
0x9d: {  	[timem:s7], [sflag:s22] =	dma.local [hbm:s5], s20  }
0x9e: {  	_ =	swait.ge [sflag:s22], s20  }
0x9f: {  	s4 =	ssub.s32 $0x0, s20;
	[sflag:s22] =	ssyncset.done $0x0  }
0xa0: {  	[sflag:s22] =	ssyncadd.s32 s4;
	_ =	sdelay $0x1  }
0xa1: {  	s23 =	simm.s32 $0x1B8B  }
0xa2: {  	_ =	swait.ge [sflag:s23], $0x1  }
0xa3: {  	[sflag:s23] =	ssyncset.done $0x0  }
0xa4: {  	s25 =	simm.s32 $0x1B8E;
	s24 =	sld [smem:$0x3FFE];
	[sflag:s23] =	ssyncadd.s32 $0xFFFFFFFF  }
0xa5: {  	s26 =	simm.s32 $execute0_lowered;
	[smem:$0x3FD2] =	sst s25  }
0xa6: {  	s5 =	sshll.u32 s26, $0x1;
	_ =	strace $0x80000046;
	[dreg:$0x1] =	wrdreg $0xFFFFFFFF  }
0xa7: {  	s28 =	simm.s32 $_size_execute0_lowered;
	s3 =	sadd.s32 s3, s5;
	[dreg:$0x0] =	wrdreg $0x0  }
0xa8: {  	s5 =	sshll.u32 s28, $0x1;
	[dreg:$0x2] =	wrdreg s3  }
0xa9: {  	[dreg:$0x3] =	wrdreg s5  }
0xaa: {  	[dreg:$0x4] =	wrdreg $0xC0  }
0xab: {  	_ =	task [dreg:s7], $0x5FFFF  }
0xac: {  	[dreg:$0x1] =	wrdreg $0xFFFFFFFF  }
0xad: {  	[dreg:$0x0] =	wrdreg $0x60  }
0xae: {  	[dreg:$0x2] =	wrdreg s2  }
0xaf: {  	[dreg:$0x3] =	wrdreg s24  }
0xb0: {  	[dreg:$0x4] =	wrdreg $0x9  }
0xb1: {  	_ =	task.clear_ibuf [dreg:s7], $0x5FFFF;
	_ =	strace $0x90000046  }
0xb2: {  	s29 =	simm.s32 $0x9;
	_ =	strace $0x80000048  }
0xb3: {  	_ =	swait.ge [sflag:s29], $0x1  }
0xb4: {  	[sflag:s29] =	ssyncadd.s32 $0xFFFFFFFF  }
0xb5: {  	_ =	strace $0x90000048  }
0xb6: {  	_ =	sfence  }
0xb7: {  	s30 =	sld [smem:$0x0];
	_ =	sdelay $0x2  }
0xb8: {  	s31 =	sshll.u32 s1, $0xD;
	s1 =	sshrl.u32 s1, $0x2  }
0xb9: {  	s3 =	sand.u32 $0x4000, s31;
	s1 =	sadd.s32 s1, s30  }
0xba: {  	s0 =	sor.u32 s3, s0;
	s1 =	sshll.u32 s1, $0x11  }
0xbb: {  	s0 =	sor.u32 s1, s0  }
0xbc: {  	s0 =	sadd.s32 $0x8F2B, s0  }
0xbd: {  	[sflag:s0] =	ssyncadd.remote.s32 $0x1  }
0xbe: {  	_ =	sfence.sel $0xFFFF  }
0xbf: {  	[dreg:$0x0] =	wrdreg $0xFFFFFFFF;
	(pc) =	sbr.abs _section_cstart, $3  }
0xc0: {  	[dreg:$0x1] =	wrdreg $0xFFFFFFFF  }
0xc1: {  	_ =	task.clear_ibuf [dreg:s7], $0x2FFFF;
	_ =	strace $0x9FFFFFFF  }
0xc2: {  	(tm) =	ssettm $0x7FFFFFFF  }
0xc3: {  	_ =	shalt  }
tec
execute0_lowered:
.L_overlay_start_1:
0x0: {  	(tag) =	ssettag $0x1  }
0x1: {  	s0 =	srdreg.scid  }
0x2: {  	s1 =	rddreg [dreg:$0x0];
	s0 =	sand.u32 $0x1, s0  }
0x3: {  	s4 =	rddreg [dreg:$0x1];
	s10 =	stileid.u32;
	s3 =	sshll.u32 s0, $0x4  }
0x4: {  	s2 =	simm.s32 $0x0;
	s26 =	smul.u32 $0xD00, s10;
	s5 =	sor.u32 s10, s3  }
0x5: {  	s11 =	simm.s32 $0x2;
	[smem:$0x7FF] =	sst s2;
	s6 =	smul.u32 $0xD00, s5  }
0x6: {  	s12 =	simm.s32 $0x4;
	_ =	strace $0x80000047;
	s8 =	smul.u32 $0x68000, s5  }
0x7: {  	s7 =	ssub.s32 $0x2, s0;
	s0 =	smul.u32 $0xD000, s0;
	s3 =	sadd.s32 $0x27ACA00, s4  }
0x8: {  	s4 =	sadd.s32 $0x600, s4;
	s6 =	sshrl.u32 s6, $0x3;
	s8 =	sshrl.u32 s8, $0x3  }
0x9: {  	s9 =	sshrl.u32 s7, $0x1;
	s1 =	sadd.s32 s1, s6;
	s13 =	sadd.s32 s4, s8  }
0xa: {  	s10 =	simm.s32 $0x3;
	[dreg:$0x3] =	wrdreg s1;
	s14 =	sadd.s32 $0x1000, s13  }
0xb: {  	s5 =	smul.u32 $0xD000, s5;
	s15 =	sadd.s32 $0x1800, s13;
	[dreg:$0x4] =	wrdreg s14  }
0xc: {  	s7 =	ssub.s32 s7, s9;
	s16 =	sadd.s32 $0x2000, s13;
	[dreg:$0x5] =	wrdreg s15  }
0xd: {  	s9 =	simm.s32 $0x1;
	s17 =	sadd.s32 $0x2800, s13;
	[dreg:$0x6] =	wrdreg s16  }
0xe: {  	s5 =	sadd.s32 s4, s5;
	s18 =	sadd.s32 $0x3000, s13;
	[dreg:$0x7] =	wrdreg s17  }
0xf: {  	s4 =	simm.s32 $0x5;
	s19 =	sadd.s32 $0x3800, s13;
	[dreg:$0x8] =	wrdreg s18  }
0x10: {  	s6 =	simm.s32 $0x80;
	s20 =	sadd.s32 $0x4000, s13;
	[dreg:$0x9] =	wrdreg s19  }
0x11: {  	s8 =	simm.s32 $0x4D00;
	s21 =	sadd.s32 $0x4800, s13;
	[dreg:$0xa] =	wrdreg s20  }
0x12: {  	s22 =	sadd.s32 $0x5000, s13;
	s23 =	sadd.s32 $0x5800, s13;
	[dreg:$0xb] =	wrdreg s21  }
0x13: {  	s24 =	sadd.s32 $0x6000, s13;
	s25 =	sadd.s32 $0x6800, s13;
	[dreg:$0xc] =	wrdreg s22  }
0x14: {  	s28 =	sadd.s32 $0xB000, s13;
	s29 =	sadd.s32 $0xB800, s13;
	[dreg:$0xd] =	wrdreg s23  }
0x15: {  	s30 =	sadd.s32 $0xC000, s13;
	s31 =	sadd.s32 $0xC800, s13;
	[dreg:$0xe] =	wrdreg s24  }
0x16: {  	s1 =	sadd.s32 $0x800, s5;
	[dreg:$0xf] =	wrdreg s25;
	s18 =	sadd.s32 $0x7000, s13  }
0x17: {  	s19 =	sadd.s32 $0x7800, s13;
	s20 =	sadd.s32 $0x8000, s13;
	s21 =	sadd.s32 $0x8800, s13  }
0x18: {  	s22 =	sadd.s32 s26, s0;
	s23 =	sadd.s32 $0x9000, s13;
	s24 =	sadd.s32 $0x9800, s13  }
0x19: {  	s25 =	sadd.s32 $0xA000, s13;
	s26 =	sadd.s32 $0xA800, s13;
	s0 =	smax.u32 s7, $0x1  }
0x1a: {  	v0 =	vlaneseq.u32;
	s17 =	smov.u32 s5;
	s7 =	simm.s32 $0xD00;
	s13 =	simm.s32 $0x0  }
.LBB2_1:
0x1b: {  	v1 =	vor.u32 s22, v0  }
0x1c: {  	s5 =	rddreg [dreg:$0x3];
	v2 =	vmulhi.u32 $0x4EC4EC4F, v1  }
0x1d: {  	[tilespmem:s2], [sflag:$0x5] =	stream.linear.gather [hbm4b:s5+s2], $0xD00, $0x38;
	[tilespmem:$0x8D00] =	vst v63  }
0x1e: {  	_ =	swait.ge [sflag:s4], $0xD00;
	v2 =	vshrl.u32 v2, $0x3  }
0x1f: {  	[sflag:s4] =	ssyncset.done $0x0;
	v2 =	vmul.u32 $0x1A, v2  }
0x20: {  	s14 =	simm.s32 $0x0;
	[sflag:s4] =	ssyncadd.s32 $0xFFFFF300  }
0x21: {  	v3 =	vsub.s32 v1, v2;
	v2 =	vld [tilespmem:s14+$0x0];
	_ =	sdelay $0x1  }
0x22: {  	s5 =	sadd.s32 $0x10, s22  }
0x23: {  	s15 =	simm.s32 $0x40;
	s16 =	simm.s32 $0x80;
	v1 =	vor.u32 s5, v0;
	v3 =	vmul.u32 $0x186A0, v3  }
.LBB2_2:
0x24: {  	p0 =	sne.s32 s16, $0x33C0;
	v4 =	vmulhi.u32 $0x4EC4EC4F, v1  }
0x25: {  	v2 =	vadd.s32 v3, v2  }
.Ltmp0:
0x26: {  	v3 =	vshrl.u32 v4, $0x3;
	[tilespmem:s14+$0x0] =	vst v2;
	s14 =	sshra.s32 s15, $0x2;
	s15 =	smov.u32 s16;
	(pc) =	sbr.rel @p0 .LBB2_2-.Ltmp0, $3  }
0x27: {  	v3 =	vmul.u32 $0x1A, v3;
	v2 =	vld [tilespmem:s14+$0x0];
	_ =	sdelay $0x1  }
0x28: {  	s5 =	sadd.s32 $0x10, s5;
	v3 =	vsub.s32 v1, v3  }
0x29: {  	s16 =	sadd.s32 $0x40, s16;
	v1 =	vor.u32 s5, v0;
	v3 =	vmul.u32 $0x186A0, v3  }
0x2a: {  	v4 =	vmulhi.u32 $0x4EC4EC4F, v1  }
0x2b: {  	v2 =	vadd.s32 v3, v2  }
0x2c: {  	s5 =	sshra.s32 s15, $0x2;
	[tilespmem:s14+$0x0] =	vst v2;
	v2 =	vshrl.u32 v4, $0x3  }
0x2d: {  	v2 =	vmul.u32 $0x1A, v2;
	v3 =	vld [tilespmem:s5+$0x0];
	_ =	sdelay $0x1  }
0x2e: {  	v1 =	vsub.s32 v1, v2  }
0x2f: {  	v1 =	vmul.u32 $0x186A0, v1;
	_ =	sdelay $0x1  }
0x30: {  	v1 =	vadd.s32 v1, v3  }
0x31: {  	[tilespmem:s5+$0x0] =	vst v1  }
0x32: {  	[tilespmem:s7], [sflag:$0x1] =	stream.indirect.gather [hbm4b:s3+s6], $0x80, s2, s6, $0xb8;
	[tilespmem:$0x8D00] =	vst v63  }
0x33: {  	_ = 	snop  }
0x34: {  	[tilespmem:s8], [sflag:$0x2] =	stream.indirect.gather [hbm4b:s3+s6], $0x80, s6, s6, $0xb8;
	[tilespmem:$0x8D00] =	vst v63  }
0x35: {  	_ =	swait.ge [sflag:s9], $0x4000  }
0x36: {  	[sflag:s9] =	ssyncset.done $0x0  }
0x37: {  	[sflag:s9] =	ssyncadd.s32 $0xFFFFC000  }
0x38: {  	[hbm4b:s17+s2] =	stream.linear.scatter [tilespmem:s7], [sflag:$0x3], $0x4000, $0x38;
	[tilespmem:$0x8D00] =	vst v63  }
0x39: {  	_ =	swait.ge [sflag:s10], $0x4000  }
0x3a: {  	[sflag:s10] =	ssyncset.done $0x0  }
0x3b: {  	s14 =	simm.s32 $0x100;
	[sflag:s10] =	ssyncadd.s32 $0xFFFFC000  }
0x3c: {  	[tilespmem:s7], [sflag:$0x1] =	stream.indirect.gather [hbm4b:s3+s6], $0x80, s14, s6, $0xb8;
	[tilespmem:$0x8D00] =	vst v63  }
0x3d: {  	_ =	swait.ge [sflag:s11], $0x4000  }
0x3e: {  	[sflag:s11] =	ssyncset.done $0x0  }
0x3f: {  	[sflag:s11] =	ssyncadd.s32 $0xFFFFC000  }
0x40: {  	[hbm4b:s1+s2] =	stream.linear.scatter [tilespmem:s8], [sflag:$0x4], $0x4000, $0x38;
	[tilespmem:$0x8D00] =	vst v63  }
0x41: {  	_ =	swait.ge [sflag:s12], $0x4000  }
0x42: {  	[sflag:s12] =	ssyncset.done $0x0  }
0x43: {  	s15 =	simm.s32 $0x180;
	[sflag:s12] =	ssyncadd.s32 $0xFFFFC000  }
0x44: {  	[tilespmem:s8], [sflag:$0x2] =	stream.indirect.gather [hbm4b:s3+s6], $0x80, s15, s6, $0xb8;
	[tilespmem:$0x8D00] =	vst v63  }
0x45: {  	_ =	swait.ge [sflag:s9], $0x4000  }
0x46: {  	[sflag:s9] =	ssyncset.done $0x0  }
0x47: {  	s16 =	rddreg [dreg:$0x4];
	[sflag:s9] =	ssyncadd.s32 $0xFFFFC000  }
0x48: {  	[hbm4b:s16+s2] =	stream.linear.scatter [tilespmem:s7], [sflag:$0x3], $0x4000, $0x38;
	[tilespmem:$0x8D00] =	vst v63  }
0x49: {  	_ =	swait.ge [sflag:s10], $0x4000  }
0x4a: {  	[sflag:s10] =	ssyncset.done $0x0  }
0x4b: {  	s14 =	simm.s32 $0x200;
	[sflag:s10] =	ssyncadd.s32 $0xFFFFC000  }
0x4c: {  	[tilespmem:s7], [sflag:$0x1] =	stream.indirect.gather [hbm4b:s3+s6], $0x80, s14, s6, $0xb8;
	[tilespmem:$0x8D00] =	vst v63  }
0x4d: {  	_ =	swait.ge [sflag:s11], $0x4000  }
0x4e: {  	[sflag:s11] =	ssyncset.done $0x0  }
0x4f: {  	s15 =	rddreg [dreg:$0x5];
	[sflag:s11] =	ssyncadd.s32 $0xFFFFC000  }
0x50: {  	[hbm4b:s15+s2] =	stream.linear.scatter [tilespmem:s8], [sflag:$0x4], $0x4000, $0x38;
	[tilespmem:$0x8D00] =	vst v63  }
0x51: {  	_ =	swait.ge [sflag:s12], $0x4000  }
0x52: {  	[sflag:s12] =	ssyncset.done $0x0  }
0x53: {  	s16 =	simm.s32 $0x280;
	[sflag:s12] =	ssyncadd.s32 $0xFFFFC000  }
0x54: {  	[tilespmem:s8], [sflag:$0x2] =	stream.indirect.gather [hbm4b:s3+s6], $0x80, s16, s6, $0xb8;
	[tilespmem:$0x8D00] =	vst v63  }
0x55: {  	_ =	swait.ge [sflag:s9], $0x4000  }
0x56: {  	[sflag:s9] =	ssyncset.done $0x0  }
0x57: {  	s14 =	rddreg [dreg:$0x6];
	[sflag:s9] =	ssyncadd.s32 $0xFFFFC000  }
0x58: {  	[hbm4b:s14+s2] =	stream.linear.scatter [tilespmem:s7], [sflag:$0x3], $0x4000, $0x38;
	[tilespmem:$0x8D00] =	vst v63  }
0x59: {  	_ =	swait.ge [sflag:s10], $0x4000  }
0x5a: {  	[sflag:s10] =	ssyncset.done $0x0  }
0x5b: {  	s15 =	simm.s32 $0x300;
	[sflag:s10] =	ssyncadd.s32 $0xFFFFC000  }
0x5c: {  	[tilespmem:s7], [sflag:$0x1] =	stream.indirect.gather [hbm4b:s3+s6], $0x80, s15, s6, $0xb8;
	[tilespmem:$0x8D00] =	vst v63  }
0x5d: {  	_ =	swait.ge [sflag:s11], $0x4000  }
0x5e: {  	[sflag:s11] =	ssyncset.done $0x0  }
0x5f: {  	s16 =	rddreg [dreg:$0x7];
	[sflag:s11] =	ssyncadd.s32 $0xFFFFC000  }
0x60: {  	[hbm4b:s16+s2] =	stream.linear.scatter [tilespmem:s8], [sflag:$0x4], $0x4000, $0x38;
	[tilespmem:$0x8D00] =	vst v63  }
0x61: {  	_ =	swait.ge [sflag:s12], $0x4000  }
0x62: {  	[sflag:s12] =	ssyncset.done $0x0  }
0x63: {  	s14 =	simm.s32 $0x380;
	[sflag:s12] =	ssyncadd.s32 $0xFFFFC000  }
0x64: {  	[tilespmem:s8], [sflag:$0x2] =	stream.indirect.gather [hbm4b:s3+s6], $0x80, s14, s6, $0xb8;
	[tilespmem:$0x8D00] =	vst v63  }
0x65: {  	_ =	swait.ge [sflag:s9], $0x4000  }
0x66: {  	[sflag:s9] =	ssyncset.done $0x0  }
0x67: {  	s15 =	rddreg [dreg:$0x8];
	[sflag:s9] =	ssyncadd.s32 $0xFFFFC000  }
0x68: {  	[hbm4b:s15+s2] =	stream.linear.scatter [tilespmem:s7], [sflag:$0x3], $0x4000, $0x38;
	[tilespmem:$0x8D00] =	vst v63  }
0x69: {  	_ =	swait.ge [sflag:s10], $0x4000  }
0x6a: {  	[sflag:s10] =	ssyncset.done $0x0  }
0x6b: {  	s16 =	simm.s32 $0x400;
	[sflag:s10] =	ssyncadd.s32 $0xFFFFC000  }
0x6c: {  	[tilespmem:s7], [sflag:$0x1] =	stream.indirect.gather [hbm4b:s3+s6], $0x80, s16, s6, $0xb8;
	[tilespmem:$0x8D00] =	vst v63  }
0x6d: {  	_ =	swait.ge [sflag:s11], $0x4000  }
0x6e: {  	[sflag:s11] =	ssyncset.done $0x0  }
0x6f: {  	s14 =	rddreg [dreg:$0x9];
	[sflag:s11] =	ssyncadd.s32 $0xFFFFC000  }
0x70: {  	[hbm4b:s14+s2] =	stream.linear.scatter [tilespmem:s8], [sflag:$0x4], $0x4000, $0x38;
	[tilespmem:$0x8D00] =	vst v63  }
0x71: {  	_ =	swait.ge [sflag:s12], $0x4000  }
0x72: {  	[sflag:s12] =	ssyncset.done $0x0  }
0x73: {  	s15 =	simm.s32 $0x480;
	[sflag:s12] =	ssyncadd.s32 $0xFFFFC000  }
0x74: {  	[tilespmem:s8], [sflag:$0x2] =	stream.indirect.gather [hbm4b:s3+s6], $0x80, s15, s6, $0xb8;
	[tilespmem:$0x8D00] =	vst v63  }
0x75: {  	_ =	swait.ge [sflag:s9], $0x4000  }
0x76: {  	[sflag:s9] =	ssyncset.done $0x0  }
0x77: {  	s16 =	rddreg [dreg:$0xa];
	[sflag:s9] =	ssyncadd.s32 $0xFFFFC000  }
0x78: {  	[hbm4b:s16+s2] =	stream.linear.scatter [tilespmem:s7], [sflag:$0x3], $0x4000, $0x38;
	[tilespmem:$0x8D00] =	vst v63  }
0x79: {  	_ =	swait.ge [sflag:s10], $0x4000  }
0x7a: {  	[sflag:s10] =	ssyncset.done $0x0  }
0x7b: {  	s14 =	simm.s32 $0x500;
	[sflag:s10] =	ssyncadd.s32 $0xFFFFC000  }
0x7c: {  	[tilespmem:s7], [sflag:$0x1] =	stream.indirect.gather [hbm4b:s3+s6], $0x80, s14, s6, $0xb8;
	[tilespmem:$0x8D00] =	vst v63  }
0x7d: {  	_ =	swait.ge [sflag:s11], $0x4000  }
0x7e: {  	[sflag:s11] =	ssyncset.done $0x0  }
0x7f: {  	s15 =	rddreg [dreg:$0xb];
	[sflag:s11] =	ssyncadd.s32 $0xFFFFC000  }
0x80: {  	[hbm4b:s15+s2] =	stream.linear.scatter [tilespmem:s8], [sflag:$0x4], $0x4000, $0x38;
	[tilespmem:$0x8D00] =	vst v63  }
0x81: {  	_ =	swait.ge [sflag:s12], $0x4000  }
0x82: {  	[sflag:s12] =	ssyncset.done $0x0  }
0x83: {  	s16 =	simm.s32 $0x580;
	[sflag:s12] =	ssyncadd.s32 $0xFFFFC000  }
0x84: {  	[tilespmem:s8], [sflag:$0x2] =	stream.indirect.gather [hbm4b:s3+s6], $0x80, s16, s6, $0xb8;
	[tilespmem:$0x8D00] =	vst v63  }
0x85: {  	_ =	swait.ge [sflag:s9], $0x4000  }
0x86: {  	[sflag:s9] =	ssyncset.done $0x0  }
0x87: {  	s14 =	rddreg [dreg:$0xc];
	[sflag:s9] =	ssyncadd.s32 $0xFFFFC000  }
0x88: {  	[hbm4b:s14+s2] =	stream.linear.scatter [tilespmem:s7], [sflag:$0x3], $0x4000, $0x38;
	[tilespmem:$0x8D00] =	vst v63  }
0x89: {  	_ =	swait.ge [sflag:s10], $0x4000  }
0x8a: {  	[sflag:s10] =	ssyncset.done $0x0  }
0x8b: {  	s15 =	simm.s32 $0x600;
	[sflag:s10] =	ssyncadd.s32 $0xFFFFC000  }
0x8c: {  	[tilespmem:s7], [sflag:$0x1] =	stream.indirect.gather [hbm4b:s3+s6], $0x80, s15, s6, $0xb8;
	[tilespmem:$0x8D00] =	vst v63  }
0x8d: {  	_ =	swait.ge [sflag:s11], $0x4000  }
0x8e: {  	[sflag:s11] =	ssyncset.done $0x0  }
0x8f: {  	s16 =	rddreg [dreg:$0xd];
	[sflag:s11] =	ssyncadd.s32 $0xFFFFC000  }
0x90: {  	[hbm4b:s16+s2] =	stream.linear.scatter [tilespmem:s8], [sflag:$0x4], $0x4000, $0x38;
	[tilespmem:$0x8D00] =	vst v63  }
0x91: {  	_ =	swait.ge [sflag:s12], $0x4000  }
0x92: {  	[sflag:s12] =	ssyncset.done $0x0  }
0x93: {  	s14 =	simm.s32 $0x680;
	[sflag:s12] =	ssyncadd.s32 $0xFFFFC000  }
0x94: {  	[tilespmem:s8], [sflag:$0x2] =	stream.indirect.gather [hbm4b:s3+s6], $0x80, s14, s6, $0xb8;
	[tilespmem:$0x8D00] =	vst v63  }
0x95: {  	_ =	swait.ge [sflag:s9], $0x4000  }
0x96: {  	[sflag:s9] =	ssyncset.done $0x0  }
0x97: {  	s15 =	rddreg [dreg:$0xe];
	[sflag:s9] =	ssyncadd.s32 $0xFFFFC000  }
0x98: {  	[hbm4b:s15+s2] =	stream.linear.scatter [tilespmem:s7], [sflag:$0x3], $0x4000, $0x38;
	[tilespmem:$0x8D00] =	vst v63  }
0x99: {  	_ =	swait.ge [sflag:s10], $0x4000  }
0x9a: {  	[sflag:s10] =	ssyncset.done $0x0  }
0x9b: {  	s16 =	simm.s32 $0x700;
	[sflag:s10] =	ssyncadd.s32 $0xFFFFC000  }
0x9c: {  	[tilespmem:s7], [sflag:$0x1] =	stream.indirect.gather [hbm4b:s3+s6], $0x80, s16, s6, $0xb8;
	[tilespmem:$0x8D00] =	vst v63  }
0x9d: {  	_ =	swait.ge [sflag:s11], $0x4000  }
0x9e: {  	[sflag:s11] =	ssyncset.done $0x0  }
0x9f: {  	s14 =	rddreg [dreg:$0xf];
	[sflag:s11] =	ssyncadd.s32 $0xFFFFC000  }
0xa0: {  	[hbm4b:s14+s2] =	stream.linear.scatter [tilespmem:s8], [sflag:$0x4], $0x4000, $0x38;
	[tilespmem:$0x8D00] =	vst v63  }
0xa1: {  	_ =	swait.ge [sflag:s12], $0x4000  }
0xa2: {  	[sflag:s12] =	ssyncset.done $0x0  }
0xa3: {  	s15 =	simm.s32 $0x780;
	[sflag:s12] =	ssyncadd.s32 $0xFFFFC000  }
0xa4: {  	[tilespmem:s8], [sflag:$0x2] =	stream.indirect.gather [hbm4b:s3+s6], $0x80, s15, s6, $0xb8;
	[tilespmem:$0x8D00] =	vst v63  }
0xa5: {  	_ =	swait.ge [sflag:s9], $0x4000  }
0xa6: {  	[sflag:s9] =	ssyncset.done $0x0  }
0xa7: {  	[sflag:s9] =	ssyncadd.s32 $0xFFFFC000  }
0xa8: {  	[hbm4b:s18+s2] =	stream.linear.scatter [tilespmem:s7], [sflag:$0x3], $0x4000, $0x38;
	[tilespmem:$0x8D00] =	vst v63  }
0xa9: {  	_ =	swait.ge [sflag:s10], $0x4000  }
0xaa: {  	[sflag:s10] =	ssyncset.done $0x0  }
0xab: {  	s16 =	simm.s32 $0x800;
	[sflag:s10] =	ssyncadd.s32 $0xFFFFC000  }
0xac: {  	[tilespmem:s7], [sflag:$0x1] =	stream.indirect.gather [hbm4b:s3+s6], $0x80, s16, s6, $0xb8;
	[tilespmem:$0x8D00] =	vst v63  }
0xad: {  	_ =	swait.ge [sflag:s11], $0x4000  }
0xae: {  	[sflag:s11] =	ssyncset.done $0x0  }
0xaf: {  	[sflag:s11] =	ssyncadd.s32 $0xFFFFC000  }
0xb0: {  	[hbm4b:s19+s2] =	stream.linear.scatter [tilespmem:s8], [sflag:$0x4], $0x4000, $0x38;
	[tilespmem:$0x8D00] =	vst v63  }
0xb1: {  	_ =	swait.ge [sflag:s12], $0x4000  }
0xb2: {  	[sflag:s12] =	ssyncset.done $0x0  }
0xb3: {  	s14 =	simm.s32 $0x880;
	[sflag:s12] =	ssyncadd.s32 $0xFFFFC000  }
0xb4: {  	[tilespmem:s8], [sflag:$0x2] =	stream.indirect.gather [hbm4b:s3+s6], $0x80, s14, s6, $0xb8;
	[tilespmem:$0x8D00] =	vst v63  }
0xb5: {  	_ =	swait.ge [sflag:s9], $0x4000  }
0xb6: {  	[sflag:s9] =	ssyncset.done $0x0  }
0xb7: {  	[sflag:s9] =	ssyncadd.s32 $0xFFFFC000  }
0xb8: {  	[hbm4b:s20+s2] =	stream.linear.scatter [tilespmem:s7], [sflag:$0x3], $0x4000, $0x38;
	[tilespmem:$0x8D00] =	vst v63  }
0xb9: {  	_ =	swait.ge [sflag:s10], $0x4000  }
0xba: {  	[sflag:s10] =	ssyncset.done $0x0  }
0xbb: {  	s15 =	simm.s32 $0x900;
	[sflag:s10] =	ssyncadd.s32 $0xFFFFC000  }
0xbc: {  	[tilespmem:s7], [sflag:$0x1] =	stream.indirect.gather [hbm4b:s3+s6], $0x80, s15, s6, $0xb8;
	[tilespmem:$0x8D00] =	vst v63  }
0xbd: {  	_ =	swait.ge [sflag:s11], $0x4000  }
0xbe: {  	[sflag:s11] =	ssyncset.done $0x0  }
0xbf: {  	[sflag:s11] =	ssyncadd.s32 $0xFFFFC000  }
0xc0: {  	[hbm4b:s21+s2] =	stream.linear.scatter [tilespmem:s8], [sflag:$0x4], $0x4000, $0x38;
	[tilespmem:$0x8D00] =	vst v63  }
0xc1: {  	_ =	swait.ge [sflag:s12], $0x4000  }
0xc2: {  	[sflag:s12] =	ssyncset.done $0x0  }
0xc3: {  	s16 =	simm.s32 $0x980;
	[sflag:s12] =	ssyncadd.s32 $0xFFFFC000  }
0xc4: {  	[tilespmem:s8], [sflag:$0x2] =	stream.indirect.gather [hbm4b:s3+s6], $0x80, s16, s6, $0xb8;
	[tilespmem:$0x8D00] =	vst v63  }
0xc5: {  	_ =	swait.ge [sflag:s9], $0x4000  }
0xc6: {  	[sflag:s9] =	ssyncset.done $0x0  }
0xc7: {  	[sflag:s9] =	ssyncadd.s32 $0xFFFFC000  }
0xc8: {  	[hbm4b:s23+s2] =	stream.linear.scatter [tilespmem:s7], [sflag:$0x3], $0x4000, $0x38;
	[tilespmem:$0x8D00] =	vst v63  }
0xc9: {  	_ =	swait.ge [sflag:s10], $0x4000  }
0xca: {  	[sflag:s10] =	ssyncset.done $0x0  }
0xcb: {  	s14 =	simm.s32 $0xA00;
	[sflag:s10] =	ssyncadd.s32 $0xFFFFC000  }
0xcc: {  	[tilespmem:s7], [sflag:$0x1] =	stream.indirect.gather [hbm4b:s3+s6], $0x80, s14, s6, $0xb8;
	[tilespmem:$0x8D00] =	vst v63  }
0xcd: {  	_ =	swait.ge [sflag:s11], $0x4000  }
0xce: {  	[sflag:s11] =	ssyncset.done $0x0  }
0xcf: {  	[sflag:s11] =	ssyncadd.s32 $0xFFFFC000  }
0xd0: {  	[hbm4b:s24+s2] =	stream.linear.scatter [tilespmem:s8], [sflag:$0x4], $0x4000, $0x38;
	[tilespmem:$0x8D00] =	vst v63  }
0xd1: {  	_ =	swait.ge [sflag:s12], $0x4000  }
0xd2: {  	[sflag:s12] =	ssyncset.done $0x0  }
0xd3: {  	s15 =	simm.s32 $0xA80;
	[sflag:s12] =	ssyncadd.s32 $0xFFFFC000  }
0xd4: {  	[tilespmem:s8], [sflag:$0x2] =	stream.indirect.gather [hbm4b:s3+s6], $0x80, s15, s6, $0xb8;
	[tilespmem:$0x8D00] =	vst v63  }
0xd5: {  	_ =	swait.ge [sflag:s9], $0x4000  }
0xd6: {  	[sflag:s9] =	ssyncset.done $0x0  }
0xd7: {  	[sflag:s9] =	ssyncadd.s32 $0xFFFFC000  }
0xd8: {  	[hbm4b:s25+s2] =	stream.linear.scatter [tilespmem:s7], [sflag:$0x3], $0x4000, $0x38;
	[tilespmem:$0x8D00] =	vst v63  }
0xd9: {  	_ =	swait.ge [sflag:s10], $0x4000  }
0xda: {  	[sflag:s10] =	ssyncset.done $0x0  }
0xdb: {  	s16 =	simm.s32 $0xB00;
	[sflag:s10] =	ssyncadd.s32 $0xFFFFC000  }
0xdc: {  	[tilespmem:s7], [sflag:$0x1] =	stream.indirect.gather [hbm4b:s3+s6], $0x80, s16, s6, $0xb8;
	[tilespmem:$0x8D00] =	vst v63  }
0xdd: {  	_ =	swait.ge [sflag:s11], $0x4000  }
0xde: {  	[sflag:s11] =	ssyncset.done $0x0  }
0xdf: {  	[sflag:s11] =	ssyncadd.s32 $0xFFFFC000  }
0xe0: {  	[hbm4b:s26+s2] =	stream.linear.scatter [tilespmem:s8], [sflag:$0x4], $0x4000, $0x38;
	[tilespmem:$0x8D00] =	vst v63  }
0xe1: {  	_ =	swait.ge [sflag:s12], $0x4000  }
0xe2: {  	[sflag:s12] =	ssyncset.done $0x0  }
0xe3: {  	s14 =	simm.s32 $0xB80;
	[sflag:s12] =	ssyncadd.s32 $0xFFFFC000  }
0xe4: {  	[tilespmem:s8], [sflag:$0x2] =	stream.indirect.gather [hbm4b:s3+s6], $0x80, s14, s6, $0xb8;
	[tilespmem:$0x8D00] =	vst v63  }
0xe5: {  	_ =	swait.ge [sflag:s9], $0x4000  }
0xe6: {  	[sflag:s9] =	ssyncset.done $0x0  }
0xe7: {  	[sflag:s9] =	ssyncadd.s32 $0xFFFFC000  }
0xe8: {  	[hbm4b:s28+s2] =	stream.linear.scatter [tilespmem:s7], [sflag:$0x3], $0x4000, $0x38;
	[tilespmem:$0x8D00] =	vst v63  }
0xe9: {  	_ =	swait.ge [sflag:s10], $0x4000  }
0xea: {  	[sflag:s10] =	ssyncset.done $0x0  }
0xeb: {  	s15 =	simm.s32 $0xC00;
	[sflag:s10] =	ssyncadd.s32 $0xFFFFC000  }
0xec: {  	[tilespmem:s7], [sflag:$0x1] =	stream.indirect.gather [hbm4b:s3+s6], $0x80, s15, s6, $0xb8;
	[tilespmem:$0x8D00] =	vst v63  }
0xed: {  	_ =	swait.ge [sflag:s11], $0x4000  }
0xee: {  	[sflag:s11] =	ssyncset.done $0x0  }
0xef: {  	[sflag:s11] =	ssyncadd.s32 $0xFFFFC000  }
0xf0: {  	[hbm4b:s29+s2] =	stream.linear.scatter [tilespmem:s8], [sflag:$0x4], $0x4000, $0x38;
	[tilespmem:$0x8D00] =	vst v63  }
0xf1: {  	_ =	swait.ge [sflag:s12], $0x4000  }
0xf2: {  	[sflag:s12] =	ssyncset.done $0x0  }
0xf3: {  	s16 =	simm.s32 $0xC80;
	[sflag:s12] =	ssyncadd.s32 $0xFFFFC000  }
0xf4: {  	[tilespmem:s8], [sflag:$0x2] =	stream.indirect.gather [hbm4b:s3+s6], $0x80, s16, s6, $0xb8;
	[tilespmem:$0x8D00] =	vst v63  }
0xf5: {  	_ =	swait.ge [sflag:s9], $0x4000  }
0xf6: {  	[sflag:s9] =	ssyncset.done $0x0  }
0xf7: {  	[sflag:s9] =	ssyncadd.s32 $0xFFFFC000  }
0xf8: {  	[hbm4b:s30+s2] =	stream.linear.scatter [tilespmem:s7], [sflag:$0x3], $0x4000, $0x38;
	[tilespmem:$0x8D00] =	vst v63  }
0xf9: {  	_ =	swait.ge [sflag:s11], $0x4000  }
0xfa: {  	[sflag:s11] =	ssyncset.done $0x0  }
0xfb: {  	s13 =	sadd.s32 $0x1, s13;
	[sflag:s11] =	ssyncadd.s32 $0xFFFFC000  }
0xfc: {  	[hbm4b:s31+s2] =	stream.linear.scatter [tilespmem:s8], [sflag:$0x4], $0x4000, $0x38;
	[tilespmem:$0x8D00] =	vst v63  }
0xfd: {  	p0 =	sne.s32 s13, s0;
	_ =	swait.ge [sflag:s10], $0x4000  }
.Ltmp1:
0xfe: {  	[sflag:s10] =	ssyncset.done $0x0;
	(pc) =	sbr.rel @p0 .LBB2_1-.Ltmp1, $4  }
0xff: {  	[sflag:s10] =	ssyncadd.s32 $0xFFFFC000  }
0x100: {  	_ =	swait.ge [sflag:s12], $0x4000  }
0x101: {  	[sflag:s12] =	ssyncset.done $0x0  }
0x102: {  	[sflag:s12] =	ssyncadd.s32 $0xFFFFC000  }
0x103: {  	_ =	sfence.sel $0x180000  }
0x104: {  	[bflag:$0x0] =	sbarrier.arrive $0xFFFF  }
0x105: {  	_ =	strace $0x90000047  }
0x106: {  	s0 =	stileid.u32;
	[bflag:$0x2] =	sbarrier.arrive $0xFFFF  }
0x107: {  	p0 =	sne.s32 s0, $0x0;
	s0 =	rddreg [dreg:$0x2]  }
0x108: {  	s0 =	sadd.s32 @!p0 $0x100000, s0  }
0x109: {  	[sflag:s0] =	ssyncadd.tile.s32 @!p0 $0x1;
	_ =	shalt  }
.Lfunc_end2:
_tile_overlayer_lowered:
.L_overlay_start_2:
0x10a: {  	(tag) =	ssettag $0x2  }
0x10b: {  	s0 =	rddreg [dreg:$0x0];
	s2 =	stileid.u32  }
0x10c: {  	s1 =	rddreg [dreg:$0x1];
	p0 =	sne.s32 s2, $0x0  }
0x10d: {  	s3 =	rddreg [dreg:$0x2];
	[bflag:$0x3] =	sbarrier.arrive $0xFFFF;
	s2 =	simm.s32 @!p0 $0x1C05  }
0x10e: {  	[timem:s3], [sflag:s2] =	dma.local @!p0 [hbm:s0], s1  }
0x10f: {  	s0 =	simm.s32 @!p0 $0x5  }
0x110: {  	_ =	swait.ge @!p0 [sflag:s0], s1  }
0x111: {  	s1 =	ssub.s32 @!p0 $0x0, s1;
	[sflag:s0] =	ssyncset.done @!p0 $0x0  }
0x112: {  	[sflag:s0] =	ssyncadd.s32 @!p0 s1  }
0x113: {  	[bflag:$0x3] =	sbarrier.arrive $0xFFFF  }
0x114: {  	_ =	shalt  }

</sc_bundles>
